<compile_context>
chip_gen: v7x
topology: tpu7x:2x2x1
jax: 0.10.2.dev20260603
libtpu: 0.0.44.dev20260713+nightly
codegen_flags: <defaults>
</compile_context>

<pallas_src>
import functools

import jax
import jax.numpy as jnp
from jax import lax
from jax.experimental import pallas as pl
from jax.experimental.pallas import tpu as pltpu
from jax.experimental.pallas import tpu_sc as plsc

_NC = 2
_NS = 16
_NW = _NC * _NS
_BLK = 8


@functools.lru_cache(maxsize=None)
def _make_emb(b, l, v, d):
    per_w = b // _NW
    nblk = per_w // _BLK
    lp1 = l + 1
    lpad = (lp1 + 7) // 8 * 8
    mesh = plsc.VectorSubcoreMesh(core_axis_name="c", subcore_axis_name="s")

    @functools.partial(
        pl.kernel,
        mesh=mesh,
        out_type=jax.ShapeDtypeStruct((b, lpad, d), jnp.float32),
        scratch_types=[
            pltpu.VMEM((2, _BLK, l), jnp.int32),
            pltpu.VMEM((2, _BLK, lpad, d), jnp.float32),
            pltpu.VMEM((1, d), jnp.float32),
            pltpu.SemaphoreType.DMA,
            pltpu.SemaphoreType.DMA,
            pltpu.SemaphoreType.DMA,
            pltpu.SemaphoreType.DMA,
            pltpu.SemaphoreType.DMA,
        ],
        compiler_params=pltpu.CompilerParams(use_tc_tiling_on_sc=False),
    )
    def emb(in_hbm, table_hbm, cls_hbm, out_hbm, idx_v, rows_v, crow_v,
            sem_c, g0, g1, o0, o1):
        wid = lax.axis_index("s") * _NC + lax.axis_index("c")
        base = wid * per_w
        sem_g = [g0, g1]
        sem_o = [o0, o1]

        pltpu.async_copy(cls_hbm, crow_v, sem_c).wait()
        c0 = crow_v[0, pl.ds(0, 16)]
        c1 = crow_v[0, pl.ds(16, 16)]

        def gath(j, s):
            return pltpu.make_async_copy(
                table_hbm.at[idx_v.at[s, j]],
                rows_v.at[s, j, pl.ds(1, l)],
                sem_g[s])

        def out_copy(t, s):
            return pltpu.make_async_copy(
                rows_v.at[s],
                out_hbm.at[pl.ds(base + t * _BLK, _BLK)],
                sem_o[s])

        def body(tt, carry):
            for s in range(2):
                t = 2 * tt + s
                @pl.when(tt >= 1)
                def _():
                    out_copy(t - 2, s).wait()
                pltpu.sync_copy(in_hbm.at[pl.ds(base + t * _BLK, _BLK)],
                                idx_v.at[s])
                for j in range(_BLK):
                    rows_v[s, j, 0, pl.ds(0, 16)] = c0
                    rows_v[s, j, 0, pl.ds(16, 16)] = c1
                for j in range(_BLK):
                    gath(j, s).start()
                if s == 0:
                    @pl.when(tt >= 1)
                    def _():
                        for j in range(_BLK):
                            gath(j, 1).wait()
                        out_copy(t - 1, 1).start()
                else:
                    for j in range(_BLK):
                        gath(j, 0).wait()
                    out_copy(t - 1, 0).start()
            return carry

        lax.fori_loop(0, nblk // 2, body, 0)

        for j in range(_BLK):
            gath(j, 1).wait()
        out_copy(nblk - 1, 1).start()
        out_copy(nblk - 2, 0).wait()
        out_copy(nblk - 1, 1).wait()

    return emb


def kernel(inputs, table):
    b, l = inputs.shape
    v, d = table.shape
    out = _make_emb(b, l, v, d)(
        inputs.astype(jnp.int32), table[:v - 1], table[v - 1:])
    return out[:, :l + 1, :]

# --- scband reference (transcript-rebuilt; emitter-appended) ---
"""Pipeline reference for scband-embedding-with-class-token-64115271795209 (READ-ONLY COPY).

The authoritative reference and input builder live on the scoring server;
editing this copy changes nothing except your own understanding.
"""

import jax, jax.numpy as jnp
import numpy as np

NUM_TOKENS = 1000000
EMBED_DIM = 32
BATCH = 4096
HIST_LEN = 200

def setup_inputs(seed: int = 0) -> dict:
    key = jax.random.key(seed)
    k1, k2 = jax.random.split(key)
    inputs = jax.random.randint(k1, (BATCH, HIST_LEN), 0, NUM_TOKENS, dtype=jnp.int64 if jax.config.jax_enable_x64 else jnp.int32)
    # Embedding table has num_tokens + 1 rows (last row is the class token embedding)
    table = jax.random.normal(k2, (NUM_TOKENS + 1, EMBED_DIM), dtype=jnp.float32) * 0.05
    return {"inputs": inputs, "table": table}

def reference(inputs, table):
    # Prepend class-token id (= num_tokens) to every sequence in the batch
    b = inputs.shape[0]
    token = jnp.full((b, 1), NUM_TOKENS, dtype=inputs.dtype)
    ids = jnp.concatenate([token, inputs], axis=1)  # [B, 1 + L]
    # Embedding lookup (gather)
    out = jnp.take(table, ids, axis=0)  # [B, 1 + L, embed_dim]
    return out

if __name__ == "__main__":
    import jax
    _d = setup_inputs()
    print(jax.jit(kernel)(*tuple(_d.values())))

</pallas_src>

<mosaic_0001>
#map = affine_map<(d0, d1) -> (0, 0)>
#map1 = affine_map<(d0, d1) -> (0, 0, 0)>
module attributes {stable_mosaic.version = 14 : i64} {
  func.func @emb(%arg0: i32, %arg1: i32, %arg2: memref<4096x200xi32, #tpu.memory_space<hbm>>, %arg3: memref<1000000x32xf32, #tpu.memory_space<hbm>>, %arg4: memref<1x32xf32, #tpu.memory_space<hbm>>, %arg5: memref<4096x208x32xf32, #tpu.memory_space<hbm>>, %arg6: memref<2x8x200xi32, #tpu.memory_space<vmem>>, %arg7: memref<2x8x208x32xf32, #tpu.memory_space<vmem>>, %arg8: memref<1x32xf32, #tpu.memory_space<vmem>>, %arg9: memref<!tpu.dma_semaphore, #tpu.memory_space<semaphore_mem>>, %arg10: memref<!tpu.dma_semaphore, #tpu.memory_space<semaphore_mem>>, %arg11: memref<!tpu.dma_semaphore, #tpu.memory_space<semaphore_mem>>, %arg12: memref<!tpu.dma_semaphore, #tpu.memory_space<semaphore_mem>>, %arg13: memref<!tpu.dma_semaphore, #tpu.memory_space<semaphore_mem>>) attributes {dimension_semantics = [#tpu.dimension_semantics<core_parallel>, #tpu.dimension_semantics<subcore_parallel>], iteration_bounds = array<i64: 2, 16>, scalar_prefetch = 0 : i64, scratch_operands = 8 : i64, tpu.core_type = #tpu.core_type<sc_vector_subcore>, window_params = [{transform_indices = #map}, {transform_indices = #map}, {transform_indices = #map}, {transform_indices = #map1}]} {
    %mul3A = arith.constant 2 : i32
    %mul3A_0 = arith.muli %arg1, %mul3A : i32
    %add3A = arith.addi %mul3A_0, %arg0 : i32
    %mul3A_1 = arith.constant 128 : i32
    %mul3A_2 = arith.muli %add3A, %mul3A_1 : i32
    tpu.enqueue_dma source(%arg4 : memref<1x32xf32, #tpu.memory_space<hbm>>) target(%arg8 : memref<1x32xf32, #tpu.memory_space<vmem>>) target_semaphore(%arg9 : memref<!tpu.dma_semaphore, #tpu.memory_space<semaphore_mem>>)
    tpu.wait_dma2 semaphore(%arg9 : memref<!tpu.dma_semaphore, #tpu.memory_space<semaphore_mem>>) src(%arg4 : memref<1x32xf32, #tpu.memory_space<hbm>>) dst(%arg8 : memref<1x32xf32, #tpu.memory_space<vmem>>)
    %get3A = arith.constant 0 : i32
    %get3A_3 = arith.index_cast %get3A : i32 to index
    %get3A_4 = arith.constant 0 : index
    %get3A_5 = tpu.vector_load %arg8[%get3A_3, %get3A_4] {strides = array<i32>} : memref<1x32xf32, #tpu.memory_space<vmem>>, vector<1x16xf32>,
    %get3A_6 = vector.shape_cast %get3A_5 : vector<1x16xf32> to vector<16xf32>
    %get3A_7 = arith.constant 0 : i32
    %get3A_8 = arith.index_cast %get3A_7 : i32 to index
    %get3A_9 = arith.constant 16 : index
    %get3A_10 = tpu.vector_load %arg8[%get3A_8, %get3A_9] {strides = array<i32>} : memref<1x32xf32, #tpu.memory_space<vmem>>, vector<1x16xf32>,
    %get3A_11 = vector.shape_cast %get3A_10 : vector<1x16xf32> to vector<16xf32>
    %scan3A = arith.constant 0 : i32
    %scan3A_12 = arith.constant 0 : i32
    %scan3A_13 = arith.constant 8 : i32
    %scan3A_14 = arith.addi %scan3A_12, %scan3A_13 : i32
    %scan3A_15 = arith.constant 1 : i32
    scf.for %scan3A_184 = %scan3A_12 to %scan3A_14 step %scan3A_15  : i32 {
      %mul3A_185 = arith.constant 2 : i32
      %mul3A_186 = arith.muli %mul3A_185, %scan3A_184 : i32
      %add3A_187 = arith.constant 0 : i32
      %add3A_188 = arith.addi %mul3A_186, %add3A_187 : i32
      %ge3A = arith.constant 1 : i32
      %ge3A_189 = arith.cmpi sge, %scan3A_184, %ge3A : i32
      %convert_element_type3A = arith.extui %ge3A_189 : i1 to i32
      %cond3A = arith.constant 0 : i32
      %cond3A_190 = arith.cmpi ne, %convert_element_type3A, %cond3A : i32
      scf.if %cond3A_190 {
        %sub3A_888 = arith.constant 2 : i32
        %sub3A_889 = arith.subi %add3A_188, %sub3A_888 : i32
        %mul3A_890 = arith.constant 8 : i32
        %mul3A_891 = arith.muli %sub3A_889, %mul3A_890 : i32
        %add3A_892 = arith.addi %mul3A_2, %mul3A_891 : i32
        %dma_wait3A_893 = arith.constant 0 : i32
        %dma_wait3A_894 = arith.constant 0 : i32
        %dma_wait3A_895 = arith.constant 0 : i32
        %dma_wait3A_896 = arith.constant 0 : i32
        %dma_wait3A_897 = tpu.memref_slice %arg7[%dma_wait3A_893, %dma_wait3A_894, %dma_wait3A_895, %dma_wait3A_896] : memref<2x8x208x32xf32, #tpu.memory_space<vmem>> -> memref<1x8x208x32xf32, #tpu.memory_space<vmem>>
        %dma_wait3A_898 = tpu.memref_squeeze %dma_wait3A_897 : memref<1x8x208x32xf32, #tpu.memory_space<vmem>> -> memref<8x208x32xf32, #tpu.memory_space<vmem>>
        %dma_wait3A_899 = arith.constant 0 : i32
        %dma_wait3A_900 = arith.constant 0 : i32
        %dma_wait3A_901 = tpu.memref_slice %arg5[%add3A_892, %dma_wait3A_899, %dma_wait3A_900] : memref<4096x208x32xf32, #tpu.memory_space<hbm>> -> memref<8x208x32xf32, #tpu.memory_space<hbm>>
        %dma_wait3A_902 = arith.constant 0 : i32
        %dma_wait3A_903 = arith.constant 0 : i32
        %dma_wait3A_904 = tpu.memref_slice %arg5[%add3A_892, %dma_wait3A_902, %dma_wait3A_903] : memref<4096x208x32xf32, #tpu.memory_space<hbm>> -> memref<8x208x32xf32, #tpu.memory_space<hbm>>
        %dma_wait3A_905 = arith.constant 0 : i32
        %dma_wait3A_906 = arith.constant 0 : i32
        %dma_wait3A_907 = arith.constant 0 : i32
        %dma_wait3A_908 = tpu.memref_slice %arg7[%dma_wait3A_893, %dma_wait3A_905, %dma_wait3A_906, %dma_wait3A_907] : memref<2x8x208x32xf32, #tpu.memory_space<vmem>> -> memref<1x8x208x32xf32, #tpu.memory_space<vmem>>
        %dma_wait3A_909 = tpu.memref_squeeze %dma_wait3A_908 : memref<1x8x208x32xf32, #tpu.memory_space<vmem>> -> memref<8x208x32xf32, #tpu.memory_space<vmem>>
        tpu.wait_dma2 semaphore(%arg12 : memref<!tpu.dma_semaphore, #tpu.memory_space<semaphore_mem>>) src(%dma_wait3A_909 : memref<8x208x32xf32, #tpu.memory_space<vmem>>) dst(%dma_wait3A_904 : memref<8x208x32xf32, #tpu.memory_space<hbm>>)
      } else {
      }
      %mul3A_191 = arith.constant 8 : i32
      %mul3A_192 = arith.muli %add3A_188, %mul3A_191 : i32
      %add3A_193 = arith.addi %mul3A_2, %mul3A_192 : i32
      %run_scoped3A = arith.constant 0 : i32
      "tpu.region"() ({
        %run_scoped3A_888 = tpu.sem_alloc : memref<!tpu.dma_semaphore, #tpu.memory_space<semaphore_mem>>
        %dma_start3A_889 = arith.constant 0 : i32
        %dma_start3A_890 = arith.constant 0 : i32
        %dma_start3A_891 = tpu.memref_slice %arg6[%run_scoped3A, %dma_start3A_889, %dma_start3A_890] : memref<2x8x200xi32, #tpu.memory_space<vmem>> -> memref<1x8x200xi32, #tpu.memory_space<vmem>>
        %dma_start3A_892 = tpu.memref_squeeze %dma_start3A_891 : memref<1x8x200xi32, #tpu.memory_space<vmem>> -> memref<8x200xi32, #tpu.memory_space<vmem>>
        %dma_start3A_893 = arith.constant 0 : i32
        %dma_start3A_894 = tpu.memref_slice %arg2[%add3A_193, %dma_start3A_893] : memref<4096x200xi32, #tpu.memory_space<hbm>> -> memref<8x200xi32, #tpu.memory_space<hbm>>
        %dma_start3A_895 = arith.constant 0 : i32
        %dma_start3A_896 = arith.constant 0 : i32
        %dma_start3A_897 = tpu.memref_slice %arg6[%run_scoped3A, %dma_start3A_895, %dma_start3A_896] : memref<2x8x200xi32, #tpu.memory_space<vmem>> -> memref<1x8x200xi32, #tpu.memory_space<vmem>>
        %dma_start3A_898 = tpu.memref_squeeze %dma_start3A_897 : memref<1x8x200xi32, #tpu.memory_space<vmem>> -> memref<8x200xi32, #tpu.memory_space<vmem>>
        %dma_start3A_899 = arith.constant 0 : i32
        %dma_start3A_900 = tpu.memref_slice %arg2[%add3A_193, %dma_start3A_899] : memref<4096x200xi32, #tpu.memory_space<hbm>> -> memref<8x200xi32, #tpu.memory_space<hbm>>
        tpu.enqueue_dma source(%dma_start3A_900 : memref<8x200xi32, #tpu.memory_space<hbm>>) target(%dma_start3A_898 : memref<8x200xi32, #tpu.memory_space<vmem>>) target_semaphore(%run_scoped3A_888 : memref<!tpu.dma_semaphore, #tpu.memory_space<semaphore_mem>>)
        %dma_wait3A_901 = arith.constant 0 : i32
        %dma_wait3A_902 = arith.constant 0 : i32
        %dma_wait3A_903 = tpu.memref_slice %arg6[%run_scoped3A, %dma_wait3A_901, %dma_wait3A_902] : memref<2x8x200xi32, #tpu.memory_space<vmem>> -> memref<1x8x200xi32, #tpu.memory_space<vmem>>
        %dma_wait3A_904 = tpu.memref_squeeze %dma_wait3A_903 : memref<1x8x200xi32, #tpu.memory_space<vmem>> -> memref<8x200xi32, #tpu.memory_space<vmem>>
        %dma_wait3A_905 = arith.constant 0 : i32
        %dma_wait3A_906 = tpu.memref_slice %arg2[%add3A_193, %dma_wait3A_905] : memref<4096x200xi32, #tpu.memory_space<hbm>> -> memref<8x200xi32, #tpu.memory_space<hbm>>
        %dma_wait3A_907 = arith.constant 0 : i32
        %dma_wait3A_908 = arith.constant 0 : i32
        %dma_wait3A_909 = tpu.memref_slice %arg6[%run_scoped3A, %dma_wait3A_907, %dma_wait3A_908] : memref<2x8x200xi32, #tpu.memory_space<vmem>> -> memref<1x8x200xi32, #tpu.memory_space<vmem>>
        %dma_wait3A_910 = tpu.memref_squeeze %dma_wait3A_909 : memref<1x8x200xi32, #tpu.memory_space<vmem>> -> memref<8x200xi32, #tpu.memory_space<vmem>>
        %dma_wait3A_911 = arith.constant 0 : i32
        %dma_wait3A_912 = tpu.memref_slice %arg2[%add3A_193, %dma_wait3A_911] : memref<4096x200xi32, #tpu.memory_space<hbm>> -> memref<8x200xi32, #tpu.memory_space<hbm>>
        tpu.wait_dma2 semaphore(%run_scoped3A_888 : memref<!tpu.dma_semaphore, #tpu.memory_space<semaphore_mem>>) src(%dma_wait3A_912 : memref<8x200xi32, #tpu.memory_space<hbm>>) dst(%dma_wait3A_910 : memref<8x200xi32, #tpu.memory_space<vmem>>)
        tpu.yield
      }) : () -> ()
      %swap3A = arith.constant 0 : i32
      %swap3A_194 = arith.constant 0 : i32
      %swap3A_195 = arith.constant 0 : i32
      %swap3A_196 = arith.index_cast %swap3A : i32 to index
      %swap3A_197 = arith.index_cast %swap3A_194 : i32 to index
      %swap3A_198 = arith.index_cast %swap3A_195 : i32 to index
      %swap3A_199 = arith.constant 0 : index
      %swap3A_200 = tpu.vector_load %arg7[%swap3A_196, %swap3A_197, %swap3A_198, %swap3A_199] {strides = array<i32>} : memref<2x8x208x32xf32, #tpu.memory_space<vmem>>, vector<1x1x1x16xf32>,
      %swap3A_201 = vector.shape_cast %swap3A_200 : vector<1x1x1x16xf32> to vector<16xf32>
      %swap3A_202 = vector.shape_cast %get3A_6 : vector<16xf32> to vector<1x1x1x16xf32>
      tpu.vector_store %arg7[%swap3A_196, %swap3A_197, %swap3A_198, %swap3A_199], %swap3A_202 {strides = array<i32>} : memref<2x8x208x32xf32, #tpu.memory_space<vmem>>, vector<1x1x1x16xf32>,
      %swap3A_203 = arith.constant 0 : i32
      %swap3A_204 = arith.constant 0 : i32
      %swap3A_205 = arith.constant 0 : i32
      %swap3A_206 = arith.index_cast %swap3A_203 : i32 to index
      %swap3A_207 = arith.index_cast %swap3A_204 : i32 to index
      %swap3A_208 = arith.index_cast %swap3A_205 : i32 to index
      %swap3A_209 = arith.constant 16 : index
      %swap3A_210 = tpu.vector_load %arg7[%swap3A_206, %swap3A_207, %swap3A_208, %swap3A_209] {strides = array<i32>} : memref<2x8x208x32xf32, #tpu.memory_space<vmem>>, vector<1x1x1x16xf32>,
      %swap3A_211 = vector.shape_cast %swap3A_210 : vector<1x1x1x16xf32> to vector<16xf32>
      %swap3A_212 = vector.shape_cast %get3A_11 : vector<16xf32> to vector<1x1x1x16xf32>
      tpu.vector_store %arg7[%swap3A_206, %swap3A_207, %swap3A_208, %swap3A_209], %swap3A_212 {strides = array<i32>} : memref<2x8x208x32xf32, #tpu.memory_space<vmem>>, vector<1x1x1x16xf32>,
      %swap3A_213 = arith.constant 0 : i32
      %swap3A_214 = arith.constant 1 : i32
      %swap3A_215 = arith.constant 0 : i32
      %swap3A_216 = arith.index_cast %swap3A_213 : i32 to index
      %swap3A_217 = arith.index_cast %swap3A_214 : i32 to index
      %swap3A_218 = arith.index_cast %swap3A_215 : i32 to index
      %swap3A_219 = arith.constant 0 : index
      %swap3A_220 = tpu.vector_load %arg7[%swap3A_216, %swap3A_217, %swap3A_218, %swap3A_219] {strides = array<i32>} : memref<2x8x208x32xf32, #tpu.memory_space<vmem>>, vector<1x1x1x16xf32>,
      %swap3A_221 = vector.shape_cast %swap3A_220 : vector<1x1x1x16xf32> to vector<16xf32>
      %swap3A_222 = vector.shape_cast %get3A_6 : vector<16xf32> to vector<1x1x1x16xf32>
      tpu.vector_store %arg7[%swap3A_216, %swap3A_217, %swap3A_218, %swap3A_219], %swap3A_222 {strides = array<i32>} : memref<2x8x208x32xf32, #tpu.memory_space<vmem>>, vector<1x1x1x16xf32>,
      %swap3A_223 = arith.constant 0 : i32
      %swap3A_224 = arith.constant 1 : i32
      %swap3A_225 = arith.constant 0 : i32
      %swap3A_226 = arith.index_cast %swap3A_223 : i32 to index
      %swap3A_227 = arith.index_cast %swap3A_224 : i32 to index
      %swap3A_228 = arith.index_cast %swap3A_225 : i32 to index
      %swap3A_229 = arith.constant 16 : index
      %swap3A_230 = tpu.vector_load %arg7[%swap3A_226, %swap3A_227, %swap3A_228, %swap3A_229] {strides = array<i32>} : memref<2x8x208x32xf32, #tpu.memory_space<vmem>>, vector<1x1x1x16xf32>,
      %swap3A_231 = vector.shape_cast %swap3A_230 : vector<1x1x1x16xf32> to vector<16xf32>
      %swap3A_232 = vector.shape_cast %get3A_11 : vector<16xf32> to vector<1x1x1x16xf32>
      tpu.vector_store %arg7[%swap3A_226, %swap3A_227, %swap3A_228, %swap3A_229], %swap3A_232 {strides = array<i32>} : memref<2x8x208x32xf32, #tpu.memory_space<vmem>>, vector<1x1x1x16xf32>,
      %swap3A_233 = arith.constant 0 : i32
      %swap3A_234 = arith.constant 2 : i32
      %swap3A_235 = arith.constant 0 : i32
      %swap3A_236 = arith.index_cast %swap3A_233 : i32 to index
      %swap3A_237 = arith.index_cast %swap3A_234 : i32 to index
      %swap3A_238 = arith.index_cast %swap3A_235 : i32 to index
      %swap3A_239 = arith.constant 0 : index
      %swap3A_240 = tpu.vector_load %arg7[%swap3A_236, %swap3A_237, %swap3A_238, %swap3A_239] {strides = array<i32>} : memref<2x8x208x32xf32, #tpu.memory_space<vmem>>, vector<1x1x1x16xf32>,
      %swap3A_241 = vector.shape_cast %swap3A_240 : vector<1x1x1x16xf32> to vector<16xf32>
      %swap3A_242 = vector.shape_cast %get3A_6 : vector<16xf32> to vector<1x1x1x16xf32>
      tpu.vector_store %arg7[%swap3A_236, %swap3A_237, %swap3A_238, %swap3A_239], %swap3A_242 {strides = array<i32>} : memref<2x8x208x32xf32, #tpu.memory_space<vmem>>, vector<1x1x1x16xf32>,
      %swap3A_243 = arith.constant 0 : i32
      %swap3A_244 = arith.constant 2 : i32
      %swap3A_245 = arith.constant 0 : i32
      %swap3A_246 = arith.index_cast %swap3A_243 : i32 to index
      %swap3A_247 = arith.index_cast %swap3A_244 : i32 to index
      %swap3A_248 = arith.index_cast %swap3A_245 : i32 to index
      %swap3A_249 = arith.constant 16 : index
      %swap3A_250 = tpu.vector_load %arg7[%swap3A_246, %swap3A_247, %swap3A_248, %swap3A_249] {strides = array<i32>} : memref<2x8x208x32xf32, #tpu.memory_space<vmem>>, vector<1x1x1x16xf32>,
      %swap3A_251 = vector.shape_cast %swap3A_250 : vector<1x1x1x16xf32> to vector<16xf32>
      %swap3A_252 = vector.shape_cast %get3A_11 : vector<16xf32> to vector<1x1x1x16xf32>
      tpu.vector_store %arg7[%swap3A_246, %swap3A_247, %swap3A_248, %swap3A_249], %swap3A_252 {strides = array<i32>} : memref<2x8x208x32xf32, #tpu.memory_space<vmem>>, vector<1x1x1x16xf32>,
      %swap3A_253 = arith.constant 0 : i32
      %swap3A_254 = arith.constant 3 : i32
      %swap3A_255 = arith.constant 0 : i32
      %swap3A_256 = arith.index_cast %swap3A_253 : i32 to index
      %swap3A_257 = arith.index_cast %swap3A_254 : i32 to index
      %swap3A_258 = arith.index_cast %swap3A_255 : i32 to index
      %swap3A_259 = arith.constant 0 : index
      %swap3A_260 = tpu.vector_load %arg7[%swap3A_256, %swap3A_257, %swap3A_258, %swap3A_259] {strides = array<i32>} : memref<2x8x208x32xf32, #tpu.memory_space<vmem>>, vector<1x1x1x16xf32>,
      %swap3A_261 = vector.shape_cast %swap3A_260 : vector<1x1x1x16xf32> to vector<16xf32>
      %swap3A_262 = vector.shape_cast %get3A_6 : vector<16xf32> to vector<1x1x1x16xf32>
      tpu.vector_store %arg7[%swap3A_256, %swap3A_257, %swap3A_258, %swap3A_259], %swap3A_262 {strides = array<i32>} : memref<2x8x208x32xf32, #tpu.memory_space<vmem>>, vector<1x1x1x16xf32>,
      %swap3A_263 = arith.constant 0 : i32
      %swap3A_264 = arith.constant 3 : i32
      %swap3A_265 = arith.constant 0 : i32
      %swap3A_266 = arith.index_cast %swap3A_263 : i32 to index
      %swap3A_267 = arith.index_cast %swap3A_264 : i32 to index
      %swap3A_268 = arith.index_cast %swap3A_265 : i32 to index
      %swap3A_269 = arith.constant 16 : index
      %swap3A_270 = tpu.vector_load %arg7[%swap3A_266, %swap3A_267, %swap3A_268, %swap3A_269] {strides = array<i32>} : memref<2x8x208x32xf32, #tpu.memory_space<vmem>>, vector<1x1x1x16xf32>,
      %swap3A_271 = vector.shape_cast %swap3A_270 : vector<1x1x1x16xf32> to vector<16xf32>
      %swap3A_272 = vector.shape_cast %get3A_11 : vector<16xf32> to vector<1x1x1x16xf32>
      tpu.vector_store %arg7[%swap3A_266, %swap3A_267, %swap3A_268, %swap3A_269], %swap3A_272 {strides = array<i32>} : memref<2x8x208x32xf32, #tpu.memory_space<vmem>>, vector<1x1x1x16xf32>,
      %swap3A_273 = arith.constant 0 : i32
      %swap3A_274 = arith.constant 4 : i32
      %swap3A_275 = arith.constant 0 : i32
      %swap3A_276 = arith.index_cast %swap3A_273 : i32 to index
      %swap3A_277 = arith.index_cast %swap3A_274 : i32 to index
      %swap3A_278 = arith.index_cast %swap3A_275 : i32 to index
      %swap3A_279 = arith.constant 0 : index
      %swap3A_280 = tpu.vector_load %arg7[%swap3A_276, %swap3A_277, %swap3A_278, %swap3A_279] {strides = array<i32>} : memref<2x8x208x32xf32, #tpu.memory_space<vmem>>, vector<1x1x1x16xf32>,
      %swap3A_281 = vector.shape_cast %swap3A_280 : vector<1x1x1x16xf32> to vector<16xf32>
      %swap3A_282 = vector.shape_cast %get3A_6 : vector<16xf32> to vector<1x1x1x16xf32>
      tpu.vector_store %arg7[%swap3A_276, %swap3A_277, %swap3A_278, %swap3A_279], %swap3A_282 {strides = array<i32>} : memref<2x8x208x32xf32, #tpu.memory_space<vmem>>, vector<1x1x1x16xf32>,
      %swap3A_283 = arith.constant 0 : i32
      %swap3A_284 = arith.constant 4 : i32
      %swap3A_285 = arith.constant 0 : i32
      %swap3A_286 = arith.index_cast %swap3A_283 : i32 to index
      %swap3A_287 = arith.index_cast %swap3A_284 : i32 to index
      %swap3A_288 = arith.index_cast %swap3A_285 : i32 to index
      %swap3A_289 = arith.constant 16 : index
      %swap3A_290 = tpu.vector_load %arg7[%swap3A_286, %swap3A_287, %swap3A_288, %swap3A_289] {strides = array<i32>} : memref<2x8x208x32xf32, #tpu.memory_space<vmem>>, vector<1x1x1x16xf32>,
      %swap3A_291 = vector.shape_cast %swap3A_290 : vector<1x1x1x16xf32> to vector<16xf32>
      %swap3A_292 = vector.shape_cast %get3A_11 : vector<16xf32> to vector<1x1x1x16xf32>
      tpu.vector_store %arg7[%swap3A_286, %swap3A_287, %swap3A_288, %swap3A_289], %swap3A_292 {strides = array<i32>} : memref<2x8x208x32xf32, #tpu.memory_space<vmem>>, vector<1x1x1x16xf32>,
      %swap3A_293 = arith.constant 0 : i32
      %swap3A_294 = arith.constant 5 : i32
      %swap3A_295 = arith.constant 0 : i32
      %swap3A_296 = arith.index_cast %swap3A_293 : i32 to index
      %swap3A_297 = arith.index_cast %swap3A_294 : i32 to index
      %swap3A_298 = arith.index_cast %swap3A_295 : i32 to index
      %swap3A_299 = arith.constant 0 : index
      %swap3A_300 = tpu.vector_load %arg7[%swap3A_296, %swap3A_297, %swap3A_298, %swap3A_299] {strides = array<i32>} : memref<2x8x208x32xf32, #tpu.memory_space<vmem>>, vector<1x1x1x16xf32>,
      %swap3A_301 = vector.shape_cast %swap3A_300 : vector<1x1x1x16xf32> to vector<16xf32>
      %swap3A_302 = vector.shape_cast %get3A_6 : vector<16xf32> to vector<1x1x1x16xf32>
      tpu.vector_store %arg7[%swap3A_296, %swap3A_297, %swap3A_298, %swap3A_299], %swap3A_302 {strides = array<i32>} : memref<2x8x208x32xf32, #tpu.memory_space<vmem>>, vector<1x1x1x16xf32>,
      %swap3A_303 = arith.constant 0 : i32
      %swap3A_304 = arith.constant 5 : i32
      %swap3A_305 = arith.constant 0 : i32
      %swap3A_306 = arith.index_cast %swap3A_303 : i32 to index
      %swap3A_307 = arith.index_cast %swap3A_304 : i32 to index
      %swap3A_308 = arith.index_cast %swap3A_305 : i32 to index
      %swap3A_309 = arith.constant 16 : index
      %swap3A_310 = tpu.vector_load %arg7[%swap3A_306, %swap3A_307, %swap3A_308, %swap3A_309] {strides = array<i32>} : memref<2x8x208x32xf32, #tpu.memory_space<vmem>>, vector<1x1x1x16xf32>,
      %swap3A_311 = vector.shape_cast %swap3A_310 : vector<1x1x1x16xf32> to vector<16xf32>
      %swap3A_312 = vector.shape_cast %get3A_11 : vector<16xf32> to vector<1x1x1x16xf32>
      tpu.vector_store %arg7[%swap3A_306, %swap3A_307, %swap3A_308, %swap3A_309], %swap3A_312 {strides = array<i32>} : memref<2x8x208x32xf32, #tpu.memory_space<vmem>>, vector<1x1x1x16xf32>,
      %swap3A_313 = arith.constant 0 : i32
      %swap3A_314 = arith.constant 6 : i32
      %swap3A_315 = arith.constant 0 : i32
      %swap3A_316 = arith.index_cast %swap3A_313 : i32 to index
      %swap3A_317 = arith.index_cast %swap3A_314 : i32 to index
      %swap3A_318 = arith.index_cast %swap3A_315 : i32 to index
      %swap3A_319 = arith.constant 0 : index
      %swap3A_320 = tpu.vector_load %arg7[%swap3A_316, %swap3A_317, %swap3A_318, %swap3A_319] {strides = array<i32>} : memref<2x8x208x32xf32, #tpu.memory_space<vmem>>, vector<1x1x1x16xf32>,
      %swap3A_321 = vector.shape_cast %swap3A_320 : vector<1x1x1x16xf32> to vector<16xf32>
      %swap3A_322 = vector.shape_cast %get3A_6 : vector<16xf32> to vector<1x1x1x16xf32>
      tpu.vector_store %arg7[%swap3A_316, %swap3A_317, %swap3A_318, %swap3A_319], %swap3A_322 {strides = array<i32>} : memref<2x8x208x32xf32, #tpu.memory_space<vmem>>, vector<1x1x1x16xf32>,
      %swap3A_323 = arith.constant 0 : i32
      %swap3A_324 = arith.constant 6 : i32
      %swap3A_325 = arith.constant 0 : i32
      %swap3A_326 = arith.index_cast %swap3A_323 : i32 to index
      %swap3A_327 = arith.index_cast %swap3A_324 : i32 to index
      %swap3A_328 = arith.index_cast %swap3A_325 : i32 to index
      %swap3A_329 = arith.constant 16 : index
      %swap3A_330 = tpu.vector_load %arg7[%swap3A_326, %swap3A_327, %swap3A_328, %swap3A_329] {strides = array<i32>} : memref<2x8x208x32xf32, #tpu.memory_space<vmem>>, vector<1x1x1x16xf32>,
      %swap3A_331 = vector.shape_cast %swap3A_330 : vector<1x1x1x16xf32> to vector<16xf32>
      %swap3A_332 = vector.shape_cast %get3A_11 : vector<16xf32> to vector<1x1x1x16xf32>
      tpu.vector_store %arg7[%swap3A_326, %swap3A_327, %swap3A_328, %swap3A_329], %swap3A_332 {strides = array<i32>} : memref<2x8x208x32xf32, #tpu.memory_space<vmem>>, vector<1x1x1x16xf32>,
      %swap3A_333 = arith.constant 0 : i32
      %swap3A_334 = arith.constant 7 : i32
      %swap3A_335 = arith.constant 0 : i32
      %swap3A_336 = arith.index_cast %swap3A_333 : i32 to index
      %swap3A_337 = arith.index_cast %swap3A_334 : i32 to index
      %swap3A_338 = arith.index_cast %swap3A_335 : i32 to index
      %swap3A_339 = arith.constant 0 : index
      %swap3A_340 = tpu.vector_load %arg7[%swap3A_336, %swap3A_337, %swap3A_338, %swap3A_339] {strides = array<i32>} : memref<2x8x208x32xf32, #tpu.memory_space<vmem>>, vector<1x1x1x16xf32>,
      %swap3A_341 = vector.shape_cast %swap3A_340 : vector<1x1x1x16xf32> to vector<16xf32>
      %swap3A_342 = vector.shape_cast %get3A_6 : vector<16xf32> to vector<1x1x1x16xf32>
      tpu.vector_store %arg7[%swap3A_336, %swap3A_337, %swap3A_338, %swap3A_339], %swap3A_342 {strides = array<i32>} : memref<2x8x208x32xf32, #tpu.memory_space<vmem>>, vector<1x1x1x16xf32>,
      %swap3A_343 = arith.constant 0 : i32
      %swap3A_344 = arith.constant 7 : i32
      %swap3A_345 = arith.constant 0 : i32
      %swap3A_346 = arith.index_cast %swap3A_343 : i32 to index
      %swap3A_347 = arith.index_cast %swap3A_344 : i32 to index
      %swap3A_348 = arith.index_cast %swap3A_345 : i32 to index
      %swap3A_349 = arith.constant 16 : index
      %swap3A_350 = tpu.vector_load %arg7[%swap3A_346, %swap3A_347, %swap3A_348, %swap3A_349] {strides = array<i32>} : memref<2x8x208x32xf32, #tpu.memory_space<vmem>>, vector<1x1x1x16xf32>,
      %swap3A_351 = vector.shape_cast %swap3A_350 : vector<1x1x1x16xf32> to vector<16xf32>
      %swap3A_352 = vector.shape_cast %get3A_11 : vector<16xf32> to vector<1x1x1x16xf32>
      tpu.vector_store %arg7[%swap3A_346, %swap3A_347, %swap3A_348, %swap3A_349], %swap3A_352 {strides = array<i32>} : memref<2x8x208x32xf32, #tpu.memory_space<vmem>>, vector<1x1x1x16xf32>,
      %dma_start3A_353 = arith.constant 0 : i32
      %dma_start3A_354 = arith.constant 0 : i32
      %dma_start3A_355 = arith.constant 0 : i32
      %dma_start3A_356 = arith.constant 0 : i32
      %dma_start3A_357 = arith.constant 1 : i32
      %dma_start3A_358 = arith.constant 0 : i32
      %dma_start3A_359 = tpu.memref_slice %arg7[%dma_start3A_355, %dma_start3A_356, %dma_start3A_357, %dma_start3A_358] : memref<2x8x208x32xf32, #tpu.memory_space<vmem>> -> memref<1x1x200x32xf32, #tpu.memory_space<vmem>>
      %dma_start3A_360 = tpu.memref_squeeze %dma_start3A_359 : memref<1x1x200x32xf32, #tpu.memory_space<vmem>> -> memref<200x32xf32, #tpu.memory_space<vmem>>
      %dma_start3A_361 = arith.constant 0 : i32
      %dma_start3A_362 = tpu.memref_slice %arg6[%dma_start3A_353, %dma_start3A_354, %dma_start3A_361] : memref<2x8x200xi32, #tpu.memory_space<vmem>> -> memref<1x1x200xi32, #tpu.memory_space<vmem>>
      %dma_start3A_363 = tpu.memref_squeeze %dma_start3A_362 : memref<1x1x200xi32, #tpu.memory_space<vmem>> -> memref<200xi32, #tpu.memory_space<vmem>>
      %dma_start3A_364 = arith.constant 0 : i32
      %dma_start3A_365 = arith.constant 0 : i32
      %dma_start3A_366 = tpu.memref_slice %arg3[%dma_start3A_364, %dma_start3A_365] : memref<1000000x32xf32, #tpu.memory_space<hbm>> -> memref<1000000x32xf32, #tpu.memory_space<hbm>>
      tpu.enqueue_indirect_dma source(%dma_start3A_366 : memref<1000000x32xf32, #tpu.memory_space<hbm>>) target(%dma_start3A_360 : memref<200x32xf32, #tpu.memory_space<vmem>>) offsets(%dma_start3A_363 : memref<200xi32, #tpu.memory_space<vmem>>) semaphore(%arg10 : memref<!tpu.dma_semaphore, #tpu.memory_space<semaphore_mem>>)
      %dma_start3A_367 = arith.constant 0 : i32
      %dma_start3A_368 = arith.constant 1 : i32
      %dma_start3A_369 = arith.constant 0 : i32
      %dma_start3A_370 = arith.constant 1 : i32
      %dma_start3A_371 = arith.constant 1 : i32
      %dma_start3A_372 = arith.constant 0 : i32
      %dma_start3A_373 = tpu.memref_slice %arg7[%dma_start3A_369, %dma_start3A_370, %dma_start3A_371, %dma_start3A_372] : memref<2x8x208x32xf32, #tpu.memory_space<vmem>> -> memref<1x1x200x32xf32, #tpu.memory_space<vmem>>
      %dma_start3A_374 = tpu.memref_squeeze %dma_start3A_373 : memref<1x1x200x32xf32, #tpu.memory_space<vmem>> -> memref<200x32xf32, #tpu.memory_space<vmem>>
      %dma_start3A_375 = arith.constant 0 : i32
      %dma_start3A_376 = tpu.memref_slice %arg6[%dma_start3A_367, %dma_start3A_368, %dma_start3A_375] : memref<2x8x200xi32, #tpu.memory_space<vmem>> -> memref<1x1x200xi32, #tpu.memory_space<vmem>>
      %dma_start3A_377 = tpu.memref_squeeze %dma_start3A_376 : memref<1x1x200xi32, #tpu.memory_space<vmem>> -> memref<200xi32, #tpu.memory_space<vmem>>
      %dma_start3A_378 = arith.constant 0 : i32
      %dma_start3A_379 = arith.constant 0 : i32
      %dma_start3A_380 = tpu.memref_slice %arg3[%dma_start3A_378, %dma_start3A_379] : memref<1000000x32xf32, #tpu.memory_space<hbm>> -> memref<1000000x32xf32, #tpu.memory_space<hbm>>
      tpu.enqueue_indirect_dma source(%dma_start3A_380 : memref<1000000x32xf32, #tpu.memory_space<hbm>>) target(%dma_start3A_374 : memref<200x32xf32, #tpu.memory_space<vmem>>) offsets(%dma_start3A_377 : memref<200xi32, #tpu.memory_space<vmem>>) semaphore(%arg10 : memref<!tpu.dma_semaphore, #tpu.memory_space<semaphore_mem>>)
      %dma_start3A_381 = arith.constant 0 : i32
      %dma_start3A_382 = arith.constant 2 : i32
      %dma_start3A_383 = arith.constant 0 : i32
      %dma_start3A_384 = arith.constant 2 : i32
      %dma_start3A_385 = arith.constant 1 : i32
      %dma_start3A_386 = arith.constant 0 : i32
      %dma_start3A_387 = tpu.memref_slice %arg7[%dma_start3A_383, %dma_start3A_384, %dma_start3A_385, %dma_start3A_386] : memref<2x8x208x32xf32, #tpu.memory_space<vmem>> -> memref<1x1x200x32xf32, #tpu.memory_space<vmem>>
      %dma_start3A_388 = tpu.memref_squeeze %dma_start3A_387 : memref<1x1x200x32xf32, #tpu.memory_space<vmem>> -> memref<200x32xf32, #tpu.memory_space<vmem>>
      %dma_start3A_389 = arith.constant 0 : i32
      %dma_start3A_390 = tpu.memref_slice %arg6[%dma_start3A_381, %dma_start3A_382, %dma_start3A_389] : memref<2x8x200xi32, #tpu.memory_space<vmem>> -> memref<1x1x200xi32, #tpu.memory_space<vmem>>
      %dma_start3A_391 = tpu.memref_squeeze %dma_start3A_390 : memref<1x1x200xi32, #tpu.memory_space<vmem>> -> memref<200xi32, #tpu.memory_space<vmem>>
      %dma_start3A_392 = arith.constant 0 : i32
      %dma_start3A_393 = arith.constant 0 : i32
      %dma_start3A_394 = tpu.memref_slice %arg3[%dma_start3A_392, %dma_start3A_393] : memref<1000000x32xf32, #tpu.memory_space<hbm>> -> memref<1000000x32xf32, #tpu.memory_space<hbm>>
      tpu.enqueue_indirect_dma source(%dma_start3A_394 : memref<1000000x32xf32, #tpu.memory_space<hbm>>) target(%dma_start3A_388 : memref<200x32xf32, #tpu.memory_space<vmem>>) offsets(%dma_start3A_391 : memref<200xi32, #tpu.memory_space<vmem>>) semaphore(%arg10 : memref<!tpu.dma_semaphore, #tpu.memory_space<semaphore_mem>>)
      %dma_start3A_395 = arith.constant 0 : i32
      %dma_start3A_396 = arith.constant 3 : i32
      %dma_start3A_397 = arith.constant 0 : i32
      %dma_start3A_398 = arith.constant 3 : i32
      %dma_start3A_399 = arith.constant 1 : i32
      %dma_start3A_400 = arith.constant 0 : i32
      %dma_start3A_401 = tpu.memref_slice %arg7[%dma_start3A_397, %dma_start3A_398, %dma_start3A_399, %dma_start3A_400] : memref<2x8x208x32xf32, #tpu.memory_space<vmem>> -> memref<1x1x200x32xf32, #tpu.memory_space<vmem>>
      %dma_start3A_402 = tpu.memref_squeeze %dma_start3A_401 : memref<1x1x200x32xf32, #tpu.memory_space<vmem>> -> memref<200x32xf32, #tpu.memory_space<vmem>>
      %dma_start3A_403 = arith.constant 0 : i32
      %dma_start3A_404 = tpu.memref_slice %arg6[%dma_start3A_395, %dma_start3A_396, %dma_start3A_403] : memref<2x8x200xi32, #tpu.memory_space<vmem>> -> memref<1x1x200xi32, #tpu.memory_space<vmem>>
      %dma_start3A_405 = tpu.memref_squeeze %dma_start3A_404 : memref<1x1x200xi32, #tpu.memory_space<vmem>> -> memref<200xi32, #tpu.memory_space<vmem>>
      %dma_start3A_406 = arith.constant 0 : i32
      %dma_start3A_407 = arith.constant 0 : i32
      %dma_start3A_408 = tpu.memref_slice %arg3[%dma_start3A_406, %dma_start3A_407] : memref<1000000x32xf32, #tpu.memory_space<hbm>> -> memref<1000000x32xf32, #tpu.memory_space<hbm>>
      tpu.enqueue_indirect_dma source(%dma_start3A_408 : memref<1000000x32xf32, #tpu.memory_space<hbm>>) target(%dma_start3A_402 : memref<200x32xf32, #tpu.memory_space<vmem>>) offsets(%dma_start3A_405 : memref<200xi32, #tpu.memory_space<vmem>>) semaphore(%arg10 : memref<!tpu.dma_semaphore, #tpu.memory_space<semaphore_mem>>)
      %dma_start3A_409 = arith.constant 0 : i32
      %dma_start3A_410 = arith.constant 4 : i32
      %dma_start3A_411 = arith.constant 0 : i32
      %dma_start3A_412 = arith.constant 4 : i32
      %dma_start3A_413 = arith.constant 1 : i32
      %dma_start3A_414 = arith.constant 0 : i32
      %dma_start3A_415 = tpu.memref_slice %arg7[%dma_start3A_411, %dma_start3A_412, %dma_start3A_413, %dma_start3A_414] : memref<2x8x208x32xf32, #tpu.memory_space<vmem>> -> memref<1x1x200x32xf32, #tpu.memory_space<vmem>>
      %dma_start3A_416 = tpu.memref_squeeze %dma_start3A_415 : memref<1x1x200x32xf32, #tpu.memory_space<vmem>> -> memref<200x32xf32, #tpu.memory_space<vmem>>
      %dma_start3A_417 = arith.constant 0 : i32
      %dma_start3A_418 = tpu.memref_slice %arg6[%dma_start3A_409, %dma_start3A_410, %dma_start3A_417] : memref<2x8x200xi32, #tpu.memory_space<vmem>> -> memref<1x1x200xi32, #tpu.memory_space<vmem>>
      %dma_start3A_419 = tpu.memref_squeeze %dma_start3A_418 : memref<1x1x200xi32, #tpu.memory_space<vmem>> -> memref<200xi32, #tpu.memory_space<vmem>>
      %dma_start3A_420 = arith.constant 0 : i32
      %dma_start3A_421 = arith.constant 0 : i32
      %dma_start3A_422 = tpu.memref_slice %arg3[%dma_start3A_420, %dma_start3A_421] : memref<1000000x32xf32, #tpu.memory_space<hbm>> -> memref<1000000x32xf32, #tpu.memory_space<hbm>>
      tpu.enqueue_indirect_dma source(%dma_start3A_422 : memref<1000000x32xf32, #tpu.memory_space<hbm>>) target(%dma_start3A_416 : memref<200x32xf32, #tpu.memory_space<vmem>>) offsets(%dma_start3A_419 : memref<200xi32, #tpu.memory_space<vmem>>) semaphore(%arg10 : memref<!tpu.dma_semaphore, #tpu.memory_space<semaphore_mem>>)
      %dma_start3A_423 = arith.constant 0 : i32
      %dma_start3A_424 = arith.constant 5 : i32
      %dma_start3A_425 = arith.constant 0 : i32
      %dma_start3A_426 = arith.constant 5 : i32
      %dma_start3A_427 = arith.constant 1 : i32
      %dma_start3A_428 = arith.constant 0 : i32
      %dma_start3A_429 = tpu.memref_slice %arg7[%dma_start3A_425, %dma_start3A_426, %dma_start3A_427, %dma_start3A_428] : memref<2x8x208x32xf32, #tpu.memory_space<vmem>> -> memref<1x1x200x32xf32, #tpu.memory_space<vmem>>
      %dma_start3A_430 = tpu.memref_squeeze %dma_start3A_429 : memref<1x1x200x32xf32, #tpu.memory_space<vmem>> -> memref<200x32xf32, #tpu.memory_space<vmem>>
      %dma_start3A_431 = arith.constant 0 : i32
      %dma_start3A_432 = tpu.memref_slice %arg6[%dma_start3A_423, %dma_start3A_424, %dma_start3A_431] : memref<2x8x200xi32, #tpu.memory_space<vmem>> -> memref<1x1x200xi32, #tpu.memory_space<vmem>>
      %dma_start3A_433 = tpu.memref_squeeze %dma_start3A_432 : memref<1x1x200xi32, #tpu.memory_space<vmem>> -> memref<200xi32, #tpu.memory_space<vmem>>
      %dma_start3A_434 = arith.constant 0 : i32
      %dma_start3A_435 = arith.constant 0 : i32
      %dma_start3A_436 = tpu.memref_slice %arg3[%dma_start3A_434, %dma_start3A_435] : memref<1000000x32xf32, #tpu.memory_space<hbm>> -> memref<1000000x32xf32, #tpu.memory_space<hbm>>
      tpu.enqueue_indirect_dma source(%dma_start3A_436 : memref<1000000x32xf32, #tpu.memory_space<hbm>>) target(%dma_start3A_430 : memref<200x32xf32, #tpu.memory_space<vmem>>) offsets(%dma_start3A_433 : memref<200xi32, #tpu.memory_space<vmem>>) semaphore(%arg10 : memref<!tpu.dma_semaphore, #tpu.memory_space<semaphore_mem>>)
      %dma_start3A_437 = arith.constant 0 : i32
      %dma_start3A_438 = arith.constant 6 : i32
      %dma_start3A_439 = arith.constant 0 : i32
      %dma_start3A_440 = arith.constant 6 : i32
      %dma_start3A_441 = arith.constant 1 : i32
      %dma_start3A_442 = arith.constant 0 : i32
      %dma_start3A_443 = tpu.memref_slice %arg7[%dma_start3A_439, %dma_start3A_440, %dma_start3A_441, %dma_start3A_442] : memref<2x8x208x32xf32, #tpu.memory_space<vmem>> -> memref<1x1x200x32xf32, #tpu.memory_space<vmem>>
      %dma_start3A_444 = tpu.memref_squeeze %dma_start3A_443 : memref<1x1x200x32xf32, #tpu.memory_space<vmem>> -> memref<200x32xf32, #tpu.memory_space<vmem>>
      %dma_start3A_445 = arith.constant 0 : i32
      %dma_start3A_446 = tpu.memref_slice %arg6[%dma_start3A_437, %dma_start3A_438, %dma_start3A_445] : memref<2x8x200xi32, #tpu.memory_space<vmem>> -> memref<1x1x200xi32, #tpu.memory_space<vmem>>
      %dma_start3A_447 = tpu.memref_squeeze %dma_start3A_446 : memref<1x1x200xi32, #tpu.memory_space<vmem>> -> memref<200xi32, #tpu.memory_space<vmem>>
      %dma_start3A_448 = arith.constant 0 : i32
      %dma_start3A_449 = arith.constant 0 : i32
      %dma_start3A_450 = tpu.memref_slice %arg3[%dma_start3A_448, %dma_start3A_449] : memref<1000000x32xf32, #tpu.memory_space<hbm>> -> memref<1000000x32xf32, #tpu.memory_space<hbm>>
      tpu.enqueue_indirect_dma source(%dma_start3A_450 : memref<1000000x32xf32, #tpu.memory_space<hbm>>) target(%dma_start3A_444 : memref<200x32xf32, #tpu.memory_space<vmem>>) offsets(%dma_start3A_447 : memref<200xi32, #tpu.memory_space<vmem>>) semaphore(%arg10 : memref<!tpu.dma_semaphore, #tpu.memory_space<semaphore_mem>>)
      %dma_start3A_451 = arith.constant 0 : i32
      %dma_start3A_452 = arith.constant 7 : i32
      %dma_start3A_453 = arith.constant 0 : i32
      %dma_start3A_454 = arith.constant 7 : i32
      %dma_start3A_455 = arith.constant 1 : i32
      %dma_start3A_456 = arith.constant 0 : i32
      %dma_start3A_457 = tpu.memref_slice %arg7[%dma_start3A_453, %dma_start3A_454, %dma_start3A_455, %dma_start3A_456] : memref<2x8x208x32xf32, #tpu.memory_space<vmem>> -> memref<1x1x200x32xf32, #tpu.memory_space<vmem>>
      %dma_start3A_458 = tpu.memref_squeeze %dma_start3A_457 : memref<1x1x200x32xf32, #tpu.memory_space<vmem>> -> memref<200x32xf32, #tpu.memory_space<vmem>>
      %dma_start3A_459 = arith.constant 0 : i32
      %dma_start3A_460 = tpu.memref_slice %arg6[%dma_start3A_451, %dma_start3A_452, %dma_start3A_459] : memref<2x8x200xi32, #tpu.memory_space<vmem>> -> memref<1x1x200xi32, #tpu.memory_space<vmem>>
      %dma_start3A_461 = tpu.memref_squeeze %dma_start3A_460 : memref<1x1x200xi32, #tpu.memory_space<vmem>> -> memref<200xi32, #tpu.memory_space<vmem>>
      %dma_start3A_462 = arith.constant 0 : i32
      %dma_start3A_463 = arith.constant 0 : i32
      %dma_start3A_464 = tpu.memref_slice %arg3[%dma_start3A_462, %dma_start3A_463] : memref<1000000x32xf32, #tpu.memory_space<hbm>> -> memref<1000000x32xf32, #tpu.memory_space<hbm>>
      tpu.enqueue_indirect_dma source(%dma_start3A_464 : memref<1000000x32xf32, #tpu.memory_space<hbm>>) target(%dma_start3A_458 : memref<200x32xf32, #tpu.memory_space<vmem>>) offsets(%dma_start3A_461 : memref<200xi32, #tpu.memory_space<vmem>>) semaphore(%arg10 : memref<!tpu.dma_semaphore, #tpu.memory_space<semaphore_mem>>)
      %ge3A_465 = arith.constant 1 : i32
      %ge3A_466 = arith.cmpi sge, %scan3A_184, %ge3A_465 : i32
      %convert_element_type3A_467 = arith.extui %ge3A_466 : i1 to i32
      %cond3A_468 = arith.constant 0 : i32
      %cond3A_469 = arith.cmpi ne, %convert_element_type3A_467, %cond3A_468 : i32
      scf.if %cond3A_469 {
        %dma_wait3A_888 = arith.constant 1 : i32
        %dma_wait3A_889 = arith.constant 0 : i32
        %dma_wait3A_890 = arith.constant 1 : i32
        %dma_wait3A_891 = arith.constant 0 : i32
        %dma_wait3A_892 = arith.constant 1 : i32
        %dma_wait3A_893 = arith.constant 0 : i32
        %dma_wait3A_894 = tpu.memref_slice %arg7[%dma_wait3A_890, %dma_wait3A_891, %dma_wait3A_892, %dma_wait3A_893] : memref<2x8x208x32xf32, #tpu.memory_space<vmem>> -> memref<1x1x200x32xf32, #tpu.memory_space<vmem>>
        %dma_wait3A_895 = tpu.memref_squeeze %dma_wait3A_894 : memref<1x1x200x32xf32, #tpu.memory_space<vmem>> -> memref<200x32xf32, #tpu.memory_space<vmem>>
        %dma_wait3A_896 = arith.constant 0 : i32
        %dma_wait3A_897 = tpu.memref_slice %arg6[%dma_wait3A_888, %dma_wait3A_889, %dma_wait3A_896] : memref<2x8x200xi32, #tpu.memory_space<vmem>> -> memref<1x1x200xi32, #tpu.memory_space<vmem>>
        %dma_wait3A_898 = tpu.memref_squeeze %dma_wait3A_897 : memref<1x1x200xi32, #tpu.memory_space<vmem>> -> memref<200xi32, #tpu.memory_space<vmem>>
        %dma_wait3A_899 = arith.constant 0 : i32
        %dma_wait3A_900 = arith.constant 0 : i32
        %dma_wait3A_901 = tpu.memref_slice %arg3[%dma_wait3A_899, %dma_wait3A_900] : memref<1000000x32xf32, #tpu.memory_space<hbm>> -> memref<1000000x32xf32, #tpu.memory_space<hbm>>
        tpu.wait_indirect_dma semaphore(%arg11 : memref<!tpu.dma_semaphore, #tpu.memory_space<semaphore_mem>>) src(%dma_wait3A_901 : memref<1000000x32xf32, #tpu.memory_space<hbm>>) dst(%dma_wait3A_895 : memref<200x32xf32, #tpu.memory_space<vmem>>)
        %dma_wait3A_902 = arith.constant 1 : i32
        %dma_wait3A_903 = arith.constant 1 : i32
        %dma_wait3A_904 = arith.constant 1 : i32
        %dma_wait3A_905 = arith.constant 1 : i32
        %dma_wait3A_906 = arith.constant 1 : i32
        %dma_wait3A_907 = arith.constant 0 : i32
        %dma_wait3A_908 = tpu.memref_slice %arg7[%dma_wait3A_904, %dma_wait3A_905, %dma_wait3A_906, %dma_wait3A_907] : memref<2x8x208x32xf32, #tpu.memory_space<vmem>> -> memref<1x1x200x32xf32, #tpu.memory_space<vmem>>
        %dma_wait3A_909 = tpu.memref_squeeze %dma_wait3A_908 : memref<1x1x200x32xf32, #tpu.memory_space<vmem>> -> memref<200x32xf32, #tpu.memory_space<vmem>>
        %dma_wait3A_910 = arith.constant 0 : i32
        %dma_wait3A_911 = tpu.memref_slice %arg6[%dma_wait3A_902, %dma_wait3A_903, %dma_wait3A_910] : memref<2x8x200xi32, #tpu.memory_space<vmem>> -> memref<1x1x200xi32, #tpu.memory_space<vmem>>
        %dma_wait3A_912 = tpu.memref_squeeze %dma_wait3A_911 : memref<1x1x200xi32, #tpu.memory_space<vmem>> -> memref<200xi32, #tpu.memory_space<vmem>>
        %dma_wait3A_913 = arith.constant 0 : i32
        %dma_wait3A_914 = arith.constant 0 : i32
        %dma_wait3A_915 = tpu.memref_slice %arg3[%dma_wait3A_913, %dma_wait3A_914] : memref<1000000x32xf32, #tpu.memory_space<hbm>> -> memref<1000000x32xf32, #tpu.memory_space<hbm>>
        tpu.wait_indirect_dma semaphore(%arg11 : memref<!tpu.dma_semaphore, #tpu.memory_space<semaphore_mem>>) src(%dma_wait3A_915 : memref<1000000x32xf32, #tpu.memory_space<hbm>>) dst(%dma_wait3A_909 : memref<200x32xf32, #tpu.memory_space<vmem>>)
        %dma_wait3A_916 = arith.constant 1 : i32
        %dma_wait3A_917 = arith.constant 2 : i32
        %dma_wait3A_918 = arith.constant 1 : i32
        %dma_wait3A_919 = arith.constant 2 : i32
        %dma_wait3A_920 = arith.constant 1 : i32
        %dma_wait3A_921 = arith.constant 0 : i32
        %dma_wait3A_922 = tpu.memref_slice %arg7[%dma_wait3A_918, %dma_wait3A_919, %dma_wait3A_920, %dma_wait3A_921] : memref<2x8x208x32xf32, #tpu.memory_space<vmem>> -> memref<1x1x200x32xf32, #tpu.memory_space<vmem>>
        %dma_wait3A_923 = tpu.memref_squeeze %dma_wait3A_922 : memref<1x1x200x32xf32, #tpu.memory_space<vmem>> -> memref<200x32xf32, #tpu.memory_space<vmem>>
        %dma_wait3A_924 = arith.constant 0 : i32
        %dma_wait3A_925 = tpu.memref_slice %arg6[%dma_wait3A_916, %dma_wait3A_917, %dma_wait3A_924] : memref<2x8x200xi32, #tpu.memory_space<vmem>> -> memref<1x1x200xi32, #tpu.memory_space<vmem>>
        %dma_wait3A_926 = tpu.memref_squeeze %dma_wait3A_925 : memref<1x1x200xi32, #tpu.memory_space<vmem>> -> memref<200xi32, #tpu.memory_space<vmem>>
        %dma_wait3A_927 = arith.constant 0 : i32
        %dma_wait3A_928 = arith.constant 0 : i32
        %dma_wait3A_929 = tpu.memref_slice %arg3[%dma_wait3A_927, %dma_wait3A_928] : memref<1000000x32xf32, #tpu.memory_space<hbm>> -> memref<1000000x32xf32, #tpu.memory_space<hbm>>
        tpu.wait_indirect_dma semaphore(%arg11 : memref<!tpu.dma_semaphore, #tpu.memory_space<semaphore_mem>>) src(%dma_wait3A_929 : memref<1000000x32xf32, #tpu.memory_space<hbm>>) dst(%dma_wait3A_923 : memref<200x32xf32, #tpu.memory_space<vmem>>)
        %dma_wait3A_930 = arith.constant 1 : i32
        %dma_wait3A_931 = arith.constant 3 : i32
        %dma_wait3A_932 = arith.constant 1 : i32
        %dma_wait3A_933 = arith.constant 3 : i32
        %dma_wait3A_934 = arith.constant 1 : i32
        %dma_wait3A_935 = arith.constant 0 : i32
        %dma_wait3A_936 = tpu.memref_slice %arg7[%dma_wait3A_932, %dma_wait3A_933, %dma_wait3A_934, %dma_wait3A_935] : memref<2x8x208x32xf32, #tpu.memory_space<vmem>> -> memref<1x1x200x32xf32, #tpu.memory_space<vmem>>
        %dma_wait3A_937 = tpu.memref_squeeze %dma_wait3A_936 : memref<1x1x200x32xf32, #tpu.memory_space<vmem>> -> memref<200x32xf32, #tpu.memory_space<vmem>>
        %dma_wait3A_938 = arith.constant 0 : i32
        %dma_wait3A_939 = tpu.memref_slice %arg6[%dma_wait3A_930, %dma_wait3A_931, %dma_wait3A_938] : memref<2x8x200xi32, #tpu.memory_space<vmem>> -> memref<1x1x200xi32, #tpu.memory_space<vmem>>
        %dma_wait3A_940 = tpu.memref_squeeze %dma_wait3A_939 : memref<1x1x200xi32, #tpu.memory_space<vmem>> -> memref<200xi32, #tpu.memory_space<vmem>>
        %dma_wait3A_941 = arith.constant 0 : i32
        %dma_wait3A_942 = arith.constant 0 : i32
        %dma_wait3A_943 = tpu.memref_slice %arg3[%dma_wait3A_941, %dma_wait3A_942] : memref<1000000x32xf32, #tpu.memory_space<hbm>> -> memref<1000000x32xf32, #tpu.memory_space<hbm>>
        tpu.wait_indirect_dma semaphore(%arg11 : memref<!tpu.dma_semaphore, #tpu.memory_space<semaphore_mem>>) src(%dma_wait3A_943 : memref<1000000x32xf32, #tpu.memory_space<hbm>>) dst(%dma_wait3A_937 : memref<200x32xf32, #tpu.memory_space<vmem>>)
        %dma_wait3A_944 = arith.constant 1 : i32
        %dma_wait3A_945 = arith.constant 4 : i32
        %dma_wait3A_946 = arith.constant 1 : i32
        %dma_wait3A_947 = arith.constant 4 : i32
        %dma_wait3A_948 = arith.constant 1 : i32
        %dma_wait3A_949 = arith.constant 0 : i32
        %dma_wait3A_950 = tpu.memref_slice %arg7[%dma_wait3A_946, %dma_wait3A_947, %dma_wait3A_948, %dma_wait3A_949] : memref<2x8x208x32xf32, #tpu.memory_space<vmem>> -> memref<1x1x200x32xf32, #tpu.memory_space<vmem>>
        %dma_wait3A_951 = tpu.memref_squeeze %dma_wait3A_950 : memref<1x1x200x32xf32, #tpu.memory_space<vmem>> -> memref<200x32xf32, #tpu.memory_space<vmem>>
        %dma_wait3A_952 = arith.constant 0 : i32
        %dma_wait3A_953 = tpu.memref_slice %arg6[%dma_wait3A_944, %dma_wait3A_945, %dma_wait3A_952] : memref<2x8x200xi32, #tpu.memory_space<vmem>> -> memref<1x1x200xi32, #tpu.memory_space<vmem>>
        %dma_wait3A_954 = tpu.memref_squeeze %dma_wait3A_953 : memref<1x1x200xi32, #tpu.memory_space<vmem>> -> memref<200xi32, #tpu.memory_space<vmem>>
        %dma_wait3A_955 = arith.constant 0 : i32
        %dma_wait3A_956 = arith.constant 0 : i32
        %dma_wait3A_957 = tpu.memref_slice %arg3[%dma_wait3A_955, %dma_wait3A_956] : memref<1000000x32xf32, #tpu.memory_space<hbm>> -> memref<1000000x32xf32, #tpu.memory_space<hbm>>
        tpu.wait_indirect_dma semaphore(%arg11 : memref<!tpu.dma_semaphore, #tpu.memory_space<semaphore_mem>>) src(%dma_wait3A_957 : memref<1000000x32xf32, #tpu.memory_space<hbm>>) dst(%dma_wait3A_951 : memref<200x32xf32, #tpu.memory_space<vmem>>)
        %dma_wait3A_958 = arith.constant 1 : i32
        %dma_wait3A_959 = arith.constant 5 : i32
        %dma_wait3A_960 = arith.constant 1 : i32
        %dma_wait3A_961 = arith.constant 5 : i32
        %dma_wait3A_962 = arith.constant 1 : i32
        %dma_wait3A_963 = arith.constant 0 : i32
        %dma_wait3A_964 = tpu.memref_slice %arg7[%dma_wait3A_960, %dma_wait3A_961, %dma_wait3A_962, %dma_wait3A_963] : memref<2x8x208x32xf32, #tpu.memory_space<vmem>> -> memref<1x1x200x32xf32, #tpu.memory_space<vmem>>
        %dma_wait3A_965 = tpu.memref_squeeze %dma_wait3A_964 : memref<1x1x200x32xf32, #tpu.memory_space<vmem>> -> memref<200x32xf32, #tpu.memory_space<vmem>>
        %dma_wait3A_966 = arith.constant 0 : i32
        %dma_wait3A_967 = tpu.memref_slice %arg6[%dma_wait3A_958, %dma_wait3A_959, %dma_wait3A_966] : memref<2x8x200xi32, #tpu.memory_space<vmem>> -> memref<1x1x200xi32, #tpu.memory_space<vmem>>
        %dma_wait3A_968 = tpu.memref_squeeze %dma_wait3A_967 : memref<1x1x200xi32, #tpu.memory_space<vmem>> -> memref<200xi32, #tpu.memory_space<vmem>>
        %dma_wait3A_969 = arith.constant 0 : i32
        %dma_wait3A_970 = arith.constant 0 : i32
        %dma_wait3A_971 = tpu.memref_slice %arg3[%dma_wait3A_969, %dma_wait3A_970] : memref<1000000x32xf32, #tpu.memory_space<hbm>> -> memref<1000000x32xf32, #tpu.memory_space<hbm>>
        tpu.wait_indirect_dma semaphore(%arg11 : memref<!tpu.dma_semaphore, #tpu.memory_space<semaphore_mem>>) src(%dma_wait3A_971 : memref<1000000x32xf32, #tpu.memory_space<hbm>>) dst(%dma_wait3A_965 : memref<200x32xf32, #tpu.memory_space<vmem>>)
        %dma_wait3A_972 = arith.constant 1 : i32
        %dma_wait3A_973 = arith.constant 6 : i32
        %dma_wait3A_974 = arith.constant 1 : i32
        %dma_wait3A_975 = arith.constant 6 : i32
        %dma_wait3A_976 = arith.constant 1 : i32
        %dma_wait3A_977 = arith.constant 0 : i32
        %dma_wait3A_978 = tpu.memref_slice %arg7[%dma_wait3A_974, %dma_wait3A_975, %dma_wait3A_976, %dma_wait3A_977] : memref<2x8x208x32xf32, #tpu.memory_space<vmem>> -> memref<1x1x200x32xf32, #tpu.memory_space<vmem>>
        %dma_wait3A_979 = tpu.memref_squeeze %dma_wait3A_978 : memref<1x1x200x32xf32, #tpu.memory_space<vmem>> -> memref<200x32xf32, #tpu.memory_space<vmem>>
        %dma_wait3A_980 = arith.constant 0 : i32
        %dma_wait3A_981 = tpu.memref_slice %arg6[%dma_wait3A_972, %dma_wait3A_973, %dma_wait3A_980] : memref<2x8x200xi32, #tpu.memory_space<vmem>> -> memref<1x1x200xi32, #tpu.memory_space<vmem>>
        %dma_wait3A_982 = tpu.memref_squeeze %dma_wait3A_981 : memref<1x1x200xi32, #tpu.memory_space<vmem>> -> memref<200xi32, #tpu.memory_space<vmem>>
        %dma_wait3A_983 = arith.constant 0 : i32
        %dma_wait3A_984 = arith.constant 0 : i32
        %dma_wait3A_985 = tpu.memref_slice %arg3[%dma_wait3A_983, %dma_wait3A_984] : memref<1000000x32xf32, #tpu.memory_space<hbm>> -> memref<1000000x32xf32, #tpu.memory_space<hbm>>
        tpu.wait_indirect_dma semaphore(%arg11 : memref<!tpu.dma_semaphore, #tpu.memory_space<semaphore_mem>>) src(%dma_wait3A_985 : memref<1000000x32xf32, #tpu.memory_space<hbm>>) dst(%dma_wait3A_979 : memref<200x32xf32, #tpu.memory_space<vmem>>)
        %dma_wait3A_986 = arith.constant 1 : i32
        %dma_wait3A_987 = arith.constant 7 : i32
        %dma_wait3A_988 = arith.constant 1 : i32
        %dma_wait3A_989 = arith.constant 7 : i32
        %dma_wait3A_990 = arith.constant 1 : i32
        %dma_wait3A_991 = arith.constant 0 : i32
        %dma_wait3A_992 = tpu.memref_slice %arg7[%dma_wait3A_988, %dma_wait3A_989, %dma_wait3A_990, %dma_wait3A_991] : memref<2x8x208x32xf32, #tpu.memory_space<vmem>> -> memref<1x1x200x32xf32, #tpu.memory_space<vmem>>
        %dma_wait3A_993 = tpu.memref_squeeze %dma_wait3A_992 : memref<1x1x200x32xf32, #tpu.memory_space<vmem>> -> memref<200x32xf32, #tpu.memory_space<vmem>>
        %dma_wait3A_994 = arith.constant 0 : i32
        %dma_wait3A_995 = tpu.memref_slice %arg6[%dma_wait3A_986, %dma_wait3A_987, %dma_wait3A_994] : memref<2x8x200xi32, #tpu.memory_space<vmem>> -> memref<1x1x200xi32, #tpu.memory_space<vmem>>
        %dma_wait3A_996 = tpu.memref_squeeze %dma_wait3A_995 : memref<1x1x200xi32, #tpu.memory_space<vmem>> -> memref<200xi32, #tpu.memory_space<vmem>>
        %dma_wait3A_997 = arith.constant 0 : i32
        %dma_wait3A_998 = arith.constant 0 : i32
        %dma_wait3A_999 = tpu.memref_slice %arg3[%dma_wait3A_997, %dma_wait3A_998] : memref<1000000x32xf32, #tpu.memory_space<hbm>> -> memref<1000000x32xf32, #tpu.memory_space<hbm>>
        tpu.wait_indirect_dma semaphore(%arg11 : memref<!tpu.dma_semaphore, #tpu.memory_space<semaphore_mem>>) src(%dma_wait3A_999 : memref<1000000x32xf32, #tpu.memory_space<hbm>>) dst(%dma_wait3A_993 : memref<200x32xf32, #tpu.memory_space<vmem>>)
        %sub3A_1000 = arith.constant 1 : i32
        %sub3A_1001 = arith.subi %add3A_188, %sub3A_1000 : i32
        %mul3A_1002 = arith.constant 8 : i32
        %mul3A_1003 = arith.muli %sub3A_1001, %mul3A_1002 : i32
        %add3A_1004 = arith.addi %mul3A_2, %mul3A_1003 : i32
        %dma_start3A_1005 = arith.constant 1 : i32
        %dma_start3A_1006 = arith.constant 0 : i32
        %dma_start3A_1007 = arith.constant 0 : i32
        %dma_start3A_1008 = arith.constant 0 : i32
        %dma_start3A_1009 = tpu.memref_slice %arg7[%dma_start3A_1005, %dma_start3A_1006, %dma_start3A_1007, %dma_start3A_1008] : memref<2x8x208x32xf32, #tpu.memory_space<vmem>> -> memref<1x8x208x32xf32, #tpu.memory_space<vmem>>
        %dma_start3A_1010 = tpu.memref_squeeze %dma_start3A_1009 : memref<1x8x208x32xf32, #tpu.memory_space<vmem>> -> memref<8x208x32xf32, #tpu.memory_space<vmem>>
        %dma_start3A_1011 = arith.constant 0 : i32
        %dma_start3A_1012 = arith.constant 0 : i32
        %dma_start3A_1013 = tpu.memref_slice %arg5[%add3A_1004, %dma_start3A_1011, %dma_start3A_1012] : memref<4096x208x32xf32, #tpu.memory_space<hbm>> -> memref<8x208x32xf32, #tpu.memory_space<hbm>>
        %dma_start3A_1014 = arith.constant 0 : i32
        %dma_start3A_1015 = arith.constant 0 : i32
        %dma_start3A_1016 = tpu.memref_slice %arg5[%add3A_1004, %dma_start3A_1014, %dma_start3A_1015] : memref<4096x208x32xf32, #tpu.memory_space<hbm>> -> memref<8x208x32xf32, #tpu.memory_space<hbm>>
        %dma_start3A_1017 = arith.constant 0 : i32
        %dma_start3A_1018 = arith.constant 0 : i32
        %dma_start3A_1019 = arith.constant 0 : i32
        %dma_start3A_1020 = tpu.memref_slice %arg7[%dma_start3A_1005, %dma_start3A_1017, %dma_start3A_1018, %dma_start3A_1019] : memref<2x8x208x32xf32, #tpu.memory_space<vmem>> -> memref<1x8x208x32xf32, #tpu.memory_space<vmem>>
        %dma_start3A_1021 = tpu.memref_squeeze %dma_start3A_1020 : memref<1x8x208x32xf32, #tpu.memory_space<vmem>> -> memref<8x208x32xf32, #tpu.memory_space<vmem>>
        tpu.enqueue_dma source(%dma_start3A_1021 : memref<8x208x32xf32, #tpu.memory_space<vmem>>) target(%dma_start3A_1016 : memref<8x208x32xf32, #tpu.memory_space<hbm>>) target_semaphore(%arg13 : memref<!tpu.dma_semaphore, #tpu.memory_space<semaphore_mem>>)
      } else {
      }
      %mul3A_470 = arith.constant 2 : i32
      %mul3A_471 = arith.muli %mul3A_470, %scan3A_184 : i32
      %add3A_472 = arith.constant 1 : i32
      %add3A_473 = arith.addi %mul3A_471, %add3A_472 : i32
      %ge3A_474 = arith.constant 1 : i32
      %ge3A_475 = arith.cmpi sge, %scan3A_184, %ge3A_474 : i32
      %convert_element_type3A_476 = arith.extui %ge3A_475 : i1 to i32
      %cond3A_477 = arith.constant 0 : i32
      %cond3A_478 = arith.cmpi ne, %convert_element_type3A_476, %cond3A_477 : i32
      scf.if %cond3A_478 {
        %sub3A_888 = arith.constant 2 : i32
        %sub3A_889 = arith.subi %add3A_473, %sub3A_888 : i32
        %mul3A_890 = arith.constant 8 : i32
        %mul3A_891 = arith.muli %sub3A_889, %mul3A_890 : i32
        %add3A_892 = arith.addi %mul3A_2, %mul3A_891 : i32
        %dma_wait3A_893 = arith.constant 1 : i32
        %dma_wait3A_894 = arith.constant 0 : i32
        %dma_wait3A_895 = arith.constant 0 : i32
        %dma_wait3A_896 = arith.constant 0 : i32
        %dma_wait3A_897 = tpu.memref_slice %arg7[%dma_wait3A_893, %dma_wait3A_894, %dma_wait3A_895, %dma_wait3A_896] : memref<2x8x208x32xf32, #tpu.memory_space<vmem>> -> memref<1x8x208x32xf32, #tpu.memory_space<vmem>>
        %dma_wait3A_898 = tpu.memref_squeeze %dma_wait3A_897 : memref<1x8x208x32xf32, #tpu.memory_space<vmem>> -> memref<8x208x32xf32, #tpu.memory_space<vmem>>
        %dma_wait3A_899 = arith.constant 0 : i32
        %dma_wait3A_900 = arith.constant 0 : i32
        %dma_wait3A_901 = tpu.memref_slice %arg5[%add3A_892, %dma_wait3A_899, %dma_wait3A_900] : memref<4096x208x32xf32, #tpu.memory_space<hbm>> -> memref<8x208x32xf32, #tpu.memory_space<hbm>>
        %dma_wait3A_902 = arith.constant 0 : i32
        %dma_wait3A_903 = arith.constant 0 : i32
        %dma_wait3A_904 = tpu.memref_slice %arg5[%add3A_892, %dma_wait3A_902, %dma_wait3A_903] : memref<4096x208x32xf32, #tpu.memory_space<hbm>> -> memref<8x208x32xf32, #tpu.memory_space<hbm>>
        %dma_wait3A_905 = arith.constant 0 : i32
        %dma_wait3A_906 = arith.constant 0 : i32
        %dma_wait3A_907 = arith.constant 0 : i32
        %dma_wait3A_908 = tpu.memref_slice %arg7[%dma_wait3A_893, %dma_wait3A_905, %dma_wait3A_906, %dma_wait3A_907] : memref<2x8x208x32xf32, #tpu.memory_space<vmem>> -> memref<1x8x208x32xf32, #tpu.memory_space<vmem>>
        %dma_wait3A_909 = tpu.memref_squeeze %dma_wait3A_908 : memref<1x8x208x32xf32, #tpu.memory_space<vmem>> -> memref<8x208x32xf32, #tpu.memory_space<vmem>>
        tpu.wait_dma2 semaphore(%arg13 : memref<!tpu.dma_semaphore, #tpu.memory_space<semaphore_mem>>) src(%dma_wait3A_909 : memref<8x208x32xf32, #tpu.memory_space<vmem>>) dst(%dma_wait3A_904 : memref<8x208x32xf32, #tpu.memory_space<hbm>>)
      } else {
      }
      %mul3A_479 = arith.constant 8 : i32
      %mul3A_480 = arith.muli %add3A_473, %mul3A_479 : i32
      %add3A_481 = arith.addi %mul3A_2, %mul3A_480 : i32
      %run_scoped3A_482 = arith.constant 1 : i32
      "tpu.region"() ({
        %run_scoped3A_888 = tpu.sem_alloc : memref<!tpu.dma_semaphore, #tpu.memory_space<semaphore_mem>>
        %dma_start3A_889 = arith.constant 0 : i32
        %dma_start3A_890 = arith.constant 0 : i32
        %dma_start3A_891 = tpu.memref_slice %arg6[%run_scoped3A_482, %dma_start3A_889, %dma_start3A_890] : memref<2x8x200xi32, #tpu.memory_space<vmem>> -> memref<1x8x200xi32, #tpu.memory_space<vmem>>
        %dma_start3A_892 = tpu.memref_squeeze %dma_start3A_891 : memref<1x8x200xi32, #tpu.memory_space<vmem>> -> memref<8x200xi32, #tpu.memory_space<vmem>>
        %dma_start3A_893 = arith.constant 0 : i32
        %dma_start3A_894 = tpu.memref_slice %arg2[%add3A_481, %dma_start3A_893] : memref<4096x200xi32, #tpu.memory_space<hbm>> -> memref<8x200xi32, #tpu.memory_space<hbm>>
        %dma_start3A_895 = arith.constant 0 : i32
        %dma_start3A_896 = arith.constant 0 : i32
        %dma_start3A_897 = tpu.memref_slice %arg6[%run_scoped3A_482, %dma_start3A_895, %dma_start3A_896] : memref<2x8x200xi32, #tpu.memory_space<vmem>> -> memref<1x8x200xi32, #tpu.memory_space<vmem>>
        %dma_start3A_898 = tpu.memref_squeeze %dma_start3A_897 : memref<1x8x200xi32, #tpu.memory_space<vmem>> -> memref<8x200xi32, #tpu.memory_space<vmem>>
        %dma_start3A_899 = arith.constant 0 : i32
        %dma_start3A_900 = tpu.memref_slice %arg2[%add3A_481, %dma_start3A_899] : memref<4096x200xi32, #tpu.memory_space<hbm>> -> memref<8x200xi32, #tpu.memory_space<hbm>>
        tpu.enqueue_dma source(%dma_start3A_900 : memref<8x200xi32, #tpu.memory_space<hbm>>) target(%dma_start3A_898 : memref<8x200xi32, #tpu.memory_space<vmem>>) target_semaphore(%run_scoped3A_888 : memref<!tpu.dma_semaphore, #tpu.memory_space<semaphore_mem>>)
        %dma_wait3A_901 = arith.constant 0 : i32
        %dma_wait3A_902 = arith.constant 0 : i32
        %dma_wait3A_903 = tpu.memref_slice %arg6[%run_scoped3A_482, %dma_wait3A_901, %dma_wait3A_902] : memref<2x8x200xi32, #tpu.memory_space<vmem>> -> memref<1x8x200xi32, #tpu.memory_space<vmem>>
        %dma_wait3A_904 = tpu.memref_squeeze %dma_wait3A_903 : memref<1x8x200xi32, #tpu.memory_space<vmem>> -> memref<8x200xi32, #tpu.memory_space<vmem>>
        %dma_wait3A_905 = arith.constant 0 : i32
        %dma_wait3A_906 = tpu.memref_slice %arg2[%add3A_481, %dma_wait3A_905] : memref<4096x200xi32, #tpu.memory_space<hbm>> -> memref<8x200xi32, #tpu.memory_space<hbm>>
        %dma_wait3A_907 = arith.constant 0 : i32
        %dma_wait3A_908 = arith.constant 0 : i32
        %dma_wait3A_909 = tpu.memref_slice %arg6[%run_scoped3A_482, %dma_wait3A_907, %dma_wait3A_908] : memref<2x8x200xi32, #tpu.memory_space<vmem>> -> memref<1x8x200xi32, #tpu.memory_space<vmem>>
        %dma_wait3A_910 = tpu.memref_squeeze %dma_wait3A_909 : memref<1x8x200xi32, #tpu.memory_space<vmem>> -> memref<8x200xi32, #tpu.memory_space<vmem>>
        %dma_wait3A_911 = arith.constant 0 : i32
        %dma_wait3A_912 = tpu.memref_slice %arg2[%add3A_481, %dma_wait3A_911] : memref<4096x200xi32, #tpu.memory_space<hbm>> -> memref<8x200xi32, #tpu.memory_space<hbm>>
        tpu.wait_dma2 semaphore(%run_scoped3A_888 : memref<!tpu.dma_semaphore, #tpu.memory_space<semaphore_mem>>) src(%dma_wait3A_912 : memref<8x200xi32, #tpu.memory_space<hbm>>) dst(%dma_wait3A_910 : memref<8x200xi32, #tpu.memory_space<vmem>>)
        tpu.yield
      }) : () -> ()
      %swap3A_483 = arith.constant 1 : i32
      %swap3A_484 = arith.constant 0 : i32
      %swap3A_485 = arith.constant 0 : i32
      %swap3A_486 = arith.index_cast %swap3A_483 : i32 to index
      %swap3A_487 = arith.index_cast %swap3A_484 : i32 to index
      %swap3A_488 = arith.index_cast %swap3A_485 : i32 to index
      %swap3A_489 = arith.constant 0 : index
      %swap3A_490 = tpu.vector_load %arg7[%swap3A_486, %swap3A_487, %swap3A_488, %swap3A_489] {strides = array<i32>} : memref<2x8x208x32xf32, #tpu.memory_space<vmem>>, vector<1x1x1x16xf32>,
      %swap3A_491 = vector.shape_cast %swap3A_490 : vector<1x1x1x16xf32> to vector<16xf32>
      %swap3A_492 = vector.shape_cast %get3A_6 : vector<16xf32> to vector<1x1x1x16xf32>
      tpu.vector_store %arg7[%swap3A_486, %swap3A_487, %swap3A_488, %swap3A_489], %swap3A_492 {strides = array<i32>} : memref<2x8x208x32xf32, #tpu.memory_space<vmem>>, vector<1x1x1x16xf32>,
      %swap3A_493 = arith.constant 1 : i32
      %swap3A_494 = arith.constant 0 : i32
      %swap3A_495 = arith.constant 0 : i32
      %swap3A_496 = arith.index_cast %swap3A_493 : i32 to index
      %swap3A_497 = arith.index_cast %swap3A_494 : i32 to index
      %swap3A_498 = arith.index_cast %swap3A_495 : i32 to index
      %swap3A_499 = arith.constant 16 : index
      %swap3A_500 = tpu.vector_load %arg7[%swap3A_496, %swap3A_497, %swap3A_498, %swap3A_499] {strides = array<i32>} : memref<2x8x208x32xf32, #tpu.memory_space<vmem>>, vector<1x1x1x16xf32>,
      %swap3A_501 = vector.shape_cast %swap3A_500 : vector<1x1x1x16xf32> to vector<16xf32>
      %swap3A_502 = vector.shape_cast %get3A_11 : vector<16xf32> to vector<1x1x1x16xf32>
      tpu.vector_store %arg7[%swap3A_496, %swap3A_497, %swap3A_498, %swap3A_499], %swap3A_502 {strides = array<i32>} : memref<2x8x208x32xf32, #tpu.memory_space<vmem>>, vector<1x1x1x16xf32>,
      %swap3A_503 = arith.constant 1 : i32
      %swap3A_504 = arith.constant 1 : i32
      %swap3A_505 = arith.constant 0 : i32
      %swap3A_506 = arith.index_cast %swap3A_503 : i32 to index
      %swap3A_507 = arith.index_cast %swap3A_504 : i32 to index
      %swap3A_508 = arith.index_cast %swap3A_505 : i32 to index
      %swap3A_509 = arith.constant 0 : index
      %swap3A_510 = tpu.vector_load %arg7[%swap3A_506, %swap3A_507, %swap3A_508, %swap3A_509] {strides = array<i32>} : memref<2x8x208x32xf32, #tpu.memory_space<vmem>>, vector<1x1x1x16xf32>,
      %swap3A_511 = vector.shape_cast %swap3A_510 : vector<1x1x1x16xf32> to vector<16xf32>
      %swap3A_512 = vector.shape_cast %get3A_6 : vector<16xf32> to vector<1x1x1x16xf32>
      tpu.vector_store %arg7[%swap3A_506, %swap3A_507, %swap3A_508, %swap3A_509], %swap3A_512 {strides = array<i32>} : memref<2x8x208x32xf32, #tpu.memory_space<vmem>>, vector<1x1x1x16xf32>,
      %swap3A_513 = arith.constant 1 : i32
      %swap3A_514 = arith.constant 1 : i32
      %swap3A_515 = arith.constant 0 : i32
      %swap3A_516 = arith.index_cast %swap3A_513 : i32 to index
      %swap3A_517 = arith.index_cast %swap3A_514 : i32 to index
      %swap3A_518 = arith.index_cast %swap3A_515 : i32 to index
      %swap3A_519 = arith.constant 16 : index
      %swap3A_520 = tpu.vector_load %arg7[%swap3A_516, %swap3A_517, %swap3A_518, %swap3A_519] {strides = array<i32>} : memref<2x8x208x32xf32, #tpu.memory_space<vmem>>, vector<1x1x1x16xf32>,
      %swap3A_521 = vector.shape_cast %swap3A_520 : vector<1x1x1x16xf32> to vector<16xf32>
      %swap3A_522 = vector.shape_cast %get3A_11 : vector<16xf32> to vector<1x1x1x16xf32>
      tpu.vector_store %arg7[%swap3A_516, %swap3A_517, %swap3A_518, %swap3A_519], %swap3A_522 {strides = array<i32>} : memref<2x8x208x32xf32, #tpu.memory_space<vmem>>, vector<1x1x1x16xf32>,
      %swap3A_523 = arith.constant 1 : i32
      %swap3A_524 = arith.constant 2 : i32
      %swap3A_525 = arith.constant 0 : i32
      %swap3A_526 = arith.index_cast %swap3A_523 : i32 to index
      %swap3A_527 = arith.index_cast %swap3A_524 : i32 to index
      %swap3A_528 = arith.index_cast %swap3A_525 : i32 to index
      %swap3A_529 = arith.constant 0 : index
      %swap3A_530 = tpu.vector_load %arg7[%swap3A_526, %swap3A_527, %swap3A_528, %swap3A_529] {strides = array<i32>} : memref<2x8x208x32xf32, #tpu.memory_space<vmem>>, vector<1x1x1x16xf32>,
      %swap3A_531 = vector.shape_cast %swap3A_530 : vector<1x1x1x16xf32> to vector<16xf32>
      %swap3A_532 = vector.shape_cast %get3A_6 : vector<16xf32> to vector<1x1x1x16xf32>
      tpu.vector_store %arg7[%swap3A_526, %swap3A_527, %swap3A_528, %swap3A_529], %swap3A_532 {strides = array<i32>} : memref<2x8x208x32xf32, #tpu.memory_space<vmem>>, vector<1x1x1x16xf32>,
      %swap3A_533 = arith.constant 1 : i32
      %swap3A_534 = arith.constant 2 : i32
      %swap3A_535 = arith.constant 0 : i32
      %swap3A_536 = arith.index_cast %swap3A_533 : i32 to index
      %swap3A_537 = arith.index_cast %swap3A_534 : i32 to index
      %swap3A_538 = arith.index_cast %swap3A_535 : i32 to index
      %swap3A_539 = arith.constant 16 : index
      %swap3A_540 = tpu.vector_load %arg7[%swap3A_536, %swap3A_537, %swap3A_538, %swap3A_539] {strides = array<i32>} : memref<2x8x208x32xf32, #tpu.memory_space<vmem>>, vector<1x1x1x16xf32>,
      %swap3A_541 = vector.shape_cast %swap3A_540 : vector<1x1x1x16xf32> to vector<16xf32>
      %swap3A_542 = vector.shape_cast %get3A_11 : vector<16xf32> to vector<1x1x1x16xf32>
      tpu.vector_store %arg7[%swap3A_536, %swap3A_537, %swap3A_538, %swap3A_539], %swap3A_542 {strides = array<i32>} : memref<2x8x208x32xf32, #tpu.memory_space<vmem>>, vector<1x1x1x16xf32>,
      %swap3A_543 = arith.constant 1 : i32
      %swap3A_544 = arith.constant 3 : i32
      %swap3A_545 = arith.constant 0 : i32
      %swap3A_546 = arith.index_cast %swap3A_543 : i32 to index
      %swap3A_547 = arith.index_cast %swap3A_544 : i32 to index
      %swap3A_548 = arith.index_cast %swap3A_545 : i32 to index
      %swap3A_549 = arith.constant 0 : index
      %swap3A_550 = tpu.vector_load %arg7[%swap3A_546, %swap3A_547, %swap3A_548, %swap3A_549] {strides = array<i32>} : memref<2x8x208x32xf32, #tpu.memory_space<vmem>>, vector<1x1x1x16xf32>,
      %swap3A_551 = vector.shape_cast %swap3A_550 : vector<1x1x1x16xf32> to vector<16xf32>
      %swap3A_552 = vector.shape_cast %get3A_6 : vector<16xf32> to vector<1x1x1x16xf32>
      tpu.vector_store %arg7[%swap3A_546, %swap3A_547, %swap3A_548, %swap3A_549], %swap3A_552 {strides = array<i32>} : memref<2x8x208x32xf32, #tpu.memory_space<vmem>>, vector<1x1x1x16xf32>,
      %swap3A_553 = arith.constant 1 : i32
      %swap3A_554 = arith.constant 3 : i32
      %swap3A_555 = arith.constant 0 : i32
      %swap3A_556 = arith.index_cast %swap3A_553 : i32 to index
      %swap3A_557 = arith.index_cast %swap3A_554 : i32 to index
      %swap3A_558 = arith.index_cast %swap3A_555 : i32 to index
      %swap3A_559 = arith.constant 16 : index
      %swap3A_560 = tpu.vector_load %arg7[%swap3A_556, %swap3A_557, %swap3A_558, %swap3A_559] {strides = array<i32>} : memref<2x8x208x32xf32, #tpu.memory_space<vmem>>, vector<1x1x1x16xf32>,
      %swap3A_561 = vector.shape_cast %swap3A_560 : vector<1x1x1x16xf32> to vector<16xf32>
      %swap3A_562 = vector.shape_cast %get3A_11 : vector<16xf32> to vector<1x1x1x16xf32>
      tpu.vector_store %arg7[%swap3A_556, %swap3A_557, %swap3A_558, %swap3A_559], %swap3A_562 {strides = array<i32>} : memref<2x8x208x32xf32, #tpu.memory_space<vmem>>, vector<1x1x1x16xf32>,
      %swap3A_563 = arith.constant 1 : i32
      %swap3A_564 = arith.constant 4 : i32
      %swap3A_565 = arith.constant 0 : i32
      %swap3A_566 = arith.index_cast %swap3A_563 : i32 to index
      %swap3A_567 = arith.index_cast %swap3A_564 : i32 to index
      %swap3A_568 = arith.index_cast %swap3A_565 : i32 to index
      %swap3A_569 = arith.constant 0 : index
      %swap3A_570 = tpu.vector_load %arg7[%swap3A_566, %swap3A_567, %swap3A_568, %swap3A_569] {strides = array<i32>} : memref<2x8x208x32xf32, #tpu.memory_space<vmem>>, vector<1x1x1x16xf32>,
      %swap3A_571 = vector.shape_cast %swap3A_570 : vector<1x1x1x16xf32> to vector<16xf32>
      %swap3A_572 = vector.shape_cast %get3A_6 : vector<16xf32> to vector<1x1x1x16xf32>
      tpu.vector_store %arg7[%swap3A_566, %swap3A_567, %swap3A_568, %swap3A_569], %swap3A_572 {strides = array<i32>} : memref<2x8x208x32xf32, #tpu.memory_space<vmem>>, vector<1x1x1x16xf32>,
      %swap3A_573 = arith.constant 1 : i32
      %swap3A_574 = arith.constant 4 : i32
      %swap3A_575 = arith.constant 0 : i32
      %swap3A_576 = arith.index_cast %swap3A_573 : i32 to index
      %swap3A_577 = arith.index_cast %swap3A_574 : i32 to index
      %swap3A_578 = arith.index_cast %swap3A_575 : i32 to index
      %swap3A_579 = arith.constant 16 : index
      %swap3A_580 = tpu.vector_load %arg7[%swap3A_576, %swap3A_577, %swap3A_578, %swap3A_579] {strides = array<i32>} : memref<2x8x208x32xf32, #tpu.memory_space<vmem>>, vector<1x1x1x16xf32>,
      %swap3A_581 = vector.shape_cast %swap3A_580 : vector<1x1x1x16xf32> to vector<16xf32>
      %swap3A_582 = vector.shape_cast %get3A_11 : vector<16xf32> to vector<1x1x1x16xf32>
      tpu.vector_store %arg7[%swap3A_576, %swap3A_577, %swap3A_578, %swap3A_579], %swap3A_582 {strides = array<i32>} : memref<2x8x208x32xf32, #tpu.memory_space<vmem>>, vector<1x1x1x16xf32>,
      %swap3A_583 = arith.constant 1 : i32
      %swap3A_584 = arith.constant 5 : i32
      %swap3A_585 = arith.constant 0 : i32
      %swap3A_586 = arith.index_cast %swap3A_583 : i32 to index
      %swap3A_587 = arith.index_cast %swap3A_584 : i32 to index
      %swap3A_588 = arith.index_cast %swap3A_585 : i32 to index
      %swap3A_589 = arith.constant 0 : index
      %swap3A_590 = tpu.vector_load %arg7[%swap3A_586, %swap3A_587, %swap3A_588, %swap3A_589] {strides = array<i32>} : memref<2x8x208x32xf32, #tpu.memory_space<vmem>>, vector<1x1x1x16xf32>,
      %swap3A_591 = vector.shape_cast %swap3A_590 : vector<1x1x1x16xf32> to vector<16xf32>
      %swap3A_592 = vector.shape_cast %get3A_6 : vector<16xf32> to vector<1x1x1x16xf32>
      tpu.vector_store %arg7[%swap3A_586, %swap3A_587, %swap3A_588, %swap3A_589], %swap3A_592 {strides = array<i32>} : memref<2x8x208x32xf32, #tpu.memory_space<vmem>>, vector<1x1x1x16xf32>,
      %swap3A_593 = arith.constant 1 : i32
      %swap3A_594 = arith.constant 5 : i32
      %swap3A_595 = arith.constant 0 : i32
      %swap3A_596 = arith.index_cast %swap3A_593 : i32 to index
      %swap3A_597 = arith.index_cast %swap3A_594 : i32 to index
      %swap3A_598 = arith.index_cast %swap3A_595 : i32 to index
      %swap3A_599 = arith.constant 16 : index
      %swap3A_600 = tpu.vector_load %arg7[%swap3A_596, %swap3A_597, %swap3A_598, %swap3A_599] {strides = array<i32>} : memref<2x8x208x32xf32, #tpu.memory_space<vmem>>, vector<1x1x1x16xf32>,
      %swap3A_601 = vector.shape_cast %swap3A_600 : vector<1x1x1x16xf32> to vector<16xf32>
      %swap3A_602 = vector.shape_cast %get3A_11 : vector<16xf32> to vector<1x1x1x16xf32>
      tpu.vector_store %arg7[%swap3A_596, %swap3A_597, %swap3A_598, %swap3A_599], %swap3A_602 {strides = array<i32>} : memref<2x8x208x32xf32, #tpu.memory_space<vmem>>, vector<1x1x1x16xf32>,
      %swap3A_603 = arith.constant 1 : i32
      %swap3A_604 = arith.constant 6 : i32
      %swap3A_605 = arith.constant 0 : i32
      %swap3A_606 = arith.index_cast %swap3A_603 : i32 to index
      %swap3A_607 = arith.index_cast %swap3A_604 : i32 to index
      %swap3A_608 = arith.index_cast %swap3A_605 : i32 to index
      %swap3A_609 = arith.constant 0 : index
      %swap3A_610 = tpu.vector_load %arg7[%swap3A_606, %swap3A_607, %swap3A_608, %swap3A_609] {strides = array<i32>} : memref<2x8x208x32xf32, #tpu.memory_space<vmem>>, vector<1x1x1x16xf32>,
      %swap3A_611 = vector.shape_cast %swap3A_610 : vector<1x1x1x16xf32> to vector<16xf32>
      %swap3A_612 = vector.shape_cast %get3A_6 : vector<16xf32> to vector<1x1x1x16xf32>
      tpu.vector_store %arg7[%swap3A_606, %swap3A_607, %swap3A_608, %swap3A_609], %swap3A_612 {strides = array<i32>} : memref<2x8x208x32xf32, #tpu.memory_space<vmem>>, vector<1x1x1x16xf32>,
      %swap3A_613 = arith.constant 1 : i32
      %swap3A_614 = arith.constant 6 : i32
      %swap3A_615 = arith.constant 0 : i32
      %swap3A_616 = arith.index_cast %swap3A_613 : i32 to index
      %swap3A_617 = arith.index_cast %swap3A_614 : i32 to index
      %swap3A_618 = arith.index_cast %swap3A_615 : i32 to index
      %swap3A_619 = arith.constant 16 : index
      %swap3A_620 = tpu.vector_load %arg7[%swap3A_616, %swap3A_617, %swap3A_618, %swap3A_619] {strides = array<i32>} : memref<2x8x208x32xf32, #tpu.memory_space<vmem>>, vector<1x1x1x16xf32>,
      %swap3A_621 = vector.shape_cast %swap3A_620 : vector<1x1x1x16xf32> to vector<16xf32>
      %swap3A_622 = vector.shape_cast %get3A_11 : vector<16xf32> to vector<1x1x1x16xf32>
      tpu.vector_store %arg7[%swap3A_616, %swap3A_617, %swap3A_618, %swap3A_619], %swap3A_622 {strides = array<i32>} : memref<2x8x208x32xf32, #tpu.memory_space<vmem>>, vector<1x1x1x16xf32>,
      %swap3A_623 = arith.constant 1 : i32
      %swap3A_624 = arith.constant 7 : i32
      %swap3A_625 = arith.constant 0 : i32
      %swap3A_626 = arith.index_cast %swap3A_623 : i32 to index
      %swap3A_627 = arith.index_cast %swap3A_624 : i32 to index
      %swap3A_628 = arith.index_cast %swap3A_625 : i32 to index
      %swap3A_629 = arith.constant 0 : index
      %swap3A_630 = tpu.vector_load %arg7[%swap3A_626, %swap3A_627, %swap3A_628, %swap3A_629] {strides = array<i32>} : memref<2x8x208x32xf32, #tpu.memory_space<vmem>>, vector<1x1x1x16xf32>,
      %swap3A_631 = vector.shape_cast %swap3A_630 : vector<1x1x1x16xf32> to vector<16xf32>
      %swap3A_632 = vector.shape_cast %get3A_6 : vector<16xf32> to vector<1x1x1x16xf32>
      tpu.vector_store %arg7[%swap3A_626, %swap3A_627, %swap3A_628, %swap3A_629], %swap3A_632 {strides = array<i32>} : memref<2x8x208x32xf32, #tpu.memory_space<vmem>>, vector<1x1x1x16xf32>,
      %swap3A_633 = arith.constant 1 : i32
      %swap3A_634 = arith.constant 7 : i32
      %swap3A_635 = arith.constant 0 : i32
      %swap3A_636 = arith.index_cast %swap3A_633 : i32 to index
      %swap3A_637 = arith.index_cast %swap3A_634 : i32 to index
      %swap3A_638 = arith.index_cast %swap3A_635 : i32 to index
      %swap3A_639 = arith.constant 16 : index
      %swap3A_640 = tpu.vector_load %arg7[%swap3A_636, %swap3A_637, %swap3A_638, %swap3A_639] {strides = array<i32>} : memref<2x8x208x32xf32, #tpu.memory_space<vmem>>, vector<1x1x1x16xf32>,
      %swap3A_641 = vector.shape_cast %swap3A_640 : vector<1x1x1x16xf32> to vector<16xf32>
      %swap3A_642 = vector.shape_cast %get3A_11 : vector<16xf32> to vector<1x1x1x16xf32>
      tpu.vector_store %arg7[%swap3A_636, %swap3A_637, %swap3A_638, %swap3A_639], %swap3A_642 {strides = array<i32>} : memref<2x8x208x32xf32, #tpu.memory_space<vmem>>, vector<1x1x1x16xf32>,
      %dma_start3A_643 = arith.constant 1 : i32
      %dma_start3A_644 = arith.constant 0 : i32
      %dma_start3A_645 = arith.constant 1 : i32
      %dma_start3A_646 = arith.constant 0 : i32
      %dma_start3A_647 = arith.constant 1 : i32
      %dma_start3A_648 = arith.constant 0 : i32
      %dma_start3A_649 = tpu.memref_slice %arg7[%dma_start3A_645, %dma_start3A_646, %dma_start3A_647, %dma_start3A_648] : memref<2x8x208x32xf32, #tpu.memory_space<vmem>> -> memref<1x1x200x32xf32, #tpu.memory_space<vmem>>
      %dma_start3A_650 = tpu.memref_squeeze %dma_start3A_649 : memref<1x1x200x32xf32, #tpu.memory_space<vmem>> -> memref<200x32xf32, #tpu.memory_space<vmem>>
      %dma_start3A_651 = arith.constant 0 : i32
      %dma_start3A_652 = tpu.memref_slice %arg6[%dma_start3A_643, %dma_start3A_644, %dma_start3A_651] : memref<2x8x200xi32, #tpu.memory_space<vmem>> -> memref<1x1x200xi32, #tpu.memory_space<vmem>>
      %dma_start3A_653 = tpu.memref_squeeze %dma_start3A_652 : memref<1x1x200xi32, #tpu.memory_space<vmem>> -> memref<200xi32, #tpu.memory_space<vmem>>
      %dma_start3A_654 = arith.constant 0 : i32
      %dma_start3A_655 = arith.constant 0 : i32
      %dma_start3A_656 = tpu.memref_slice %arg3[%dma_start3A_654, %dma_start3A_655] : memref<1000000x32xf32, #tpu.memory_space<hbm>> -> memref<1000000x32xf32, #tpu.memory_space<hbm>>
      tpu.enqueue_indirect_dma source(%dma_start3A_656 : memref<1000000x32xf32, #tpu.memory_space<hbm>>) target(%dma_start3A_650 : memref<200x32xf32, #tpu.memory_space<vmem>>) offsets(%dma_start3A_653 : memref<200xi32, #tpu.memory_space<vmem>>) semaphore(%arg11 : memref<!tpu.dma_semaphore, #tpu.memory_space<semaphore_mem>>)
      %dma_start3A_657 = arith.constant 1 : i32
      %dma_start3A_658 = arith.constant 1 : i32
      %dma_start3A_659 = arith.constant 1 : i32
      %dma_start3A_660 = arith.constant 1 : i32
      %dma_start3A_661 = arith.constant 1 : i32
      %dma_start3A_662 = arith.constant 0 : i32
      %dma_start3A_663 = tpu.memref_slice %arg7[%dma_start3A_659, %dma_start3A_660, %dma_start3A_661, %dma_start3A_662] : memref<2x8x208x32xf32, #tpu.memory_space<vmem>> -> memref<1x1x200x32xf32, #tpu.memory_space<vmem>>
      %dma_start3A_664 = tpu.memref_squeeze %dma_start3A_663 : memref<1x1x200x32xf32, #tpu.memory_space<vmem>> -> memref<200x32xf32, #tpu.memory_space<vmem>>
      %dma_start3A_665 = arith.constant 0 : i32
      %dma_start3A_666 = tpu.memref_slice %arg6[%dma_start3A_657, %dma_start3A_658, %dma_start3A_665] : memref<2x8x200xi32, #tpu.memory_space<vmem>> -> memref<1x1x200xi32, #tpu.memory_space<vmem>>
      %dma_start3A_667 = tpu.memref_squeeze %dma_start3A_666 : memref<1x1x200xi32, #tpu.memory_space<vmem>> -> memref<200xi32, #tpu.memory_space<vmem>>
      %dma_start3A_668 = arith.constant 0 : i32
      %dma_start3A_669 = arith.constant 0 : i32
      %dma_start3A_670 = tpu.memref_slice %arg3[%dma_start3A_668, %dma_start3A_669] : memref<1000000x32xf32, #tpu.memory_space<hbm>> -> memref<1000000x32xf32, #tpu.memory_space<hbm>>
      tpu.enqueue_indirect_dma source(%dma_start3A_670 : memref<1000000x32xf32, #tpu.memory_space<hbm>>) target(%dma_start3A_664 : memref<200x32xf32, #tpu.memory_space<vmem>>) offsets(%dma_start3A_667 : memref<200xi32, #tpu.memory_space<vmem>>) semaphore(%arg11 : memref<!tpu.dma_semaphore, #tpu.memory_space<semaphore_mem>>)
      %dma_start3A_671 = arith.constant 1 : i32
      %dma_start3A_672 = arith.constant 2 : i32
      %dma_start3A_673 = arith.constant 1 : i32
      %dma_start3A_674 = arith.constant 2 : i32
      %dma_start3A_675 = arith.constant 1 : i32
      %dma_start3A_676 = arith.constant 0 : i32
      %dma_start3A_677 = tpu.memref_slice %arg7[%dma_start3A_673, %dma_start3A_674, %dma_start3A_675, %dma_start3A_676] : memref<2x8x208x32xf32, #tpu.memory_space<vmem>> -> memref<1x1x200x32xf32, #tpu.memory_space<vmem>>
      %dma_start3A_678 = tpu.memref_squeeze %dma_start3A_677 : memref<1x1x200x32xf32, #tpu.memory_space<vmem>> -> memref<200x32xf32, #tpu.memory_space<vmem>>
      %dma_start3A_679 = arith.constant 0 : i32
      %dma_start3A_680 = tpu.memref_slice %arg6[%dma_start3A_671, %dma_start3A_672, %dma_start3A_679] : memref<2x8x200xi32, #tpu.memory_space<vmem>> -> memref<1x1x200xi32, #tpu.memory_space<vmem>>
      %dma_start3A_681 = tpu.memref_squeeze %dma_start3A_680 : memref<1x1x200xi32, #tpu.memory_space<vmem>> -> memref<200xi32, #tpu.memory_space<vmem>>
      %dma_start3A_682 = arith.constant 0 : i32
      %dma_start3A_683 = arith.constant 0 : i32
      %dma_start3A_684 = tpu.memref_slice %arg3[%dma_start3A_682, %dma_start3A_683] : memref<1000000x32xf32, #tpu.memory_space<hbm>> -> memref<1000000x32xf32, #tpu.memory_space<hbm>>
      tpu.enqueue_indirect_dma source(%dma_start3A_684 : memref<1000000x32xf32, #tpu.memory_space<hbm>>) target(%dma_start3A_678 : memref<200x32xf32, #tpu.memory_space<vmem>>) offsets(%dma_start3A_681 : memref<200xi32, #tpu.memory_space<vmem>>) semaphore(%arg11 : memref<!tpu.dma_semaphore, #tpu.memory_space<semaphore_mem>>)
      %dma_start3A_685 = arith.constant 1 : i32
      %dma_start3A_686 = arith.constant 3 : i32
      %dma_start3A_687 = arith.constant 1 : i32
      %dma_start3A_688 = arith.constant 3 : i32
      %dma_start3A_689 = arith.constant 1 : i32
      %dma_start3A_690 = arith.constant 0 : i32
      %dma_start3A_691 = tpu.memref_slice %arg7[%dma_start3A_687, %dma_start3A_688, %dma_start3A_689, %dma_start3A_690] : memref<2x8x208x32xf32, #tpu.memory_space<vmem>> -> memref<1x1x200x32xf32, #tpu.memory_space<vmem>>
      %dma_start3A_692 = tpu.memref_squeeze %dma_start3A_691 : memref<1x1x200x32xf32, #tpu.memory_space<vmem>> -> memref<200x32xf32, #tpu.memory_space<vmem>>
      %dma_start3A_693 = arith.constant 0 : i32
      %dma_start3A_694 = tpu.memref_slice %arg6[%dma_start3A_685, %dma_start3A_686, %dma_start3A_693] : memref<2x8x200xi32, #tpu.memory_space<vmem>> -> memref<1x1x200xi32, #tpu.memory_space<vmem>>
      %dma_start3A_695 = tpu.memref_squeeze %dma_start3A_694 : memref<1x1x200xi32, #tpu.memory_space<vmem>> -> memref<200xi32, #tpu.memory_space<vmem>>
      %dma_start3A_696 = arith.constant 0 : i32
      %dma_start3A_697 = arith.constant 0 : i32
      %dma_start3A_698 = tpu.memref_slice %arg3[%dma_start3A_696, %dma_start3A_697] : memref<1000000x32xf32, #tpu.memory_space<hbm>> -> memref<1000000x32xf32, #tpu.memory_space<hbm>>
      tpu.enqueue_indirect_dma source(%dma_start3A_698 : memref<1000000x32xf32, #tpu.memory_space<hbm>>) target(%dma_start3A_692 : memref<200x32xf32, #tpu.memory_space<vmem>>) offsets(%dma_start3A_695 : memref<200xi32, #tpu.memory_space<vmem>>) semaphore(%arg11 : memref<!tpu.dma_semaphore, #tpu.memory_space<semaphore_mem>>)
      %dma_start3A_699 = arith.constant 1 : i32
      %dma_start3A_700 = arith.constant 4 : i32
      %dma_start3A_701 = arith.constant 1 : i32
      %dma_start3A_702 = arith.constant 4 : i32
      %dma_start3A_703 = arith.constant 1 : i32
      %dma_start3A_704 = arith.constant 0 : i32
      %dma_start3A_705 = tpu.memref_slice %arg7[%dma_start3A_701, %dma_start3A_702, %dma_start3A_703, %dma_start3A_704] : memref<2x8x208x32xf32, #tpu.memory_space<vmem>> -> memref<1x1x200x32xf32, #tpu.memory_space<vmem>>
      %dma_start3A_706 = tpu.memref_squeeze %dma_start3A_705 : memref<1x1x200x32xf32, #tpu.memory_space<vmem>> -> memref<200x32xf32, #tpu.memory_space<vmem>>
      %dma_start3A_707 = arith.constant 0 : i32
      %dma_start3A_708 = tpu.memref_slice %arg6[%dma_start3A_699, %dma_start3A_700, %dma_start3A_707] : memref<2x8x200xi32, #tpu.memory_space<vmem>> -> memref<1x1x200xi32, #tpu.memory_space<vmem>>
      %dma_start3A_709 = tpu.memref_squeeze %dma_start3A_708 : memref<1x1x200xi32, #tpu.memory_space<vmem>> -> memref<200xi32, #tpu.memory_space<vmem>>
      %dma_start3A_710 = arith.constant 0 : i32
      %dma_start3A_711 = arith.constant 0 : i32
      %dma_start3A_712 = tpu.memref_slice %arg3[%dma_start3A_710, %dma_start3A_711] : memref<1000000x32xf32, #tpu.memory_space<hbm>> -> memref<1000000x32xf32, #tpu.memory_space<hbm>>
      tpu.enqueue_indirect_dma source(%dma_start3A_712 : memref<1000000x32xf32, #tpu.memory_space<hbm>>) target(%dma_start3A_706 : memref<200x32xf32, #tpu.memory_space<vmem>>) offsets(%dma_start3A_709 : memref<200xi32, #tpu.memory_space<vmem>>) semaphore(%arg11 : memref<!tpu.dma_semaphore, #tpu.memory_space<semaphore_mem>>)
      %dma_start3A_713 = arith.constant 1 : i32
      %dma_start3A_714 = arith.constant 5 : i32
      %dma_start3A_715 = arith.constant 1 : i32
      %dma_start3A_716 = arith.constant 5 : i32
      %dma_start3A_717 = arith.constant 1 : i32
      %dma_start3A_718 = arith.constant 0 : i32
      %dma_start3A_719 = tpu.memref_slice %arg7[%dma_start3A_715, %dma_start3A_716, %dma_start3A_717, %dma_start3A_718] : memref<2x8x208x32xf32, #tpu.memory_space<vmem>> -> memref<1x1x200x32xf32, #tpu.memory_space<vmem>>
      %dma_start3A_720 = tpu.memref_squeeze %dma_start3A_719 : memref<1x1x200x32xf32, #tpu.memory_space<vmem>> -> memref<200x32xf32, #tpu.memory_space<vmem>>
      %dma_start3A_721 = arith.constant 0 : i32
      %dma_start3A_722 = tpu.memref_slice %arg6[%dma_start3A_713, %dma_start3A_714, %dma_start3A_721] : memref<2x8x200xi32, #tpu.memory_space<vmem>> -> memref<1x1x200xi32, #tpu.memory_space<vmem>>
      %dma_start3A_723 = tpu.memref_squeeze %dma_start3A_722 : memref<1x1x200xi32, #tpu.memory_space<vmem>> -> memref<200xi32, #tpu.memory_space<vmem>>
      %dma_start3A_724 = arith.constant 0 : i32
      %dma_start3A_725 = arith.constant 0 : i32
      %dma_start3A_726 = tpu.memref_slice %arg3[%dma_start3A_724, %dma_start3A_725] : memref<1000000x32xf32, #tpu.memory_space<hbm>> -> memref<1000000x32xf32, #tpu.memory_space<hbm>>
      tpu.enqueue_indirect_dma source(%dma_start3A_726 : memref<1000000x32xf32, #tpu.memory_space<hbm>>) target(%dma_start3A_720 : memref<200x32xf32, #tpu.memory_space<vmem>>) offsets(%dma_start3A_723 : memref<200xi32, #tpu.memory_space<vmem>>) semaphore(%arg11 : memref<!tpu.dma_semaphore, #tpu.memory_space<semaphore_mem>>)
      %dma_start3A_727 = arith.constant 1 : i32
      %dma_start3A_728 = arith.constant 6 : i32
      %dma_start3A_729 = arith.constant 1 : i32
      %dma_start3A_730 = arith.constant 6 : i32
      %dma_start3A_731 = arith.constant 1 : i32
      %dma_start3A_732 = arith.constant 0 : i32
      %dma_start3A_733 = tpu.memref_slice %arg7[%dma_start3A_729, %dma_start3A_730, %dma_start3A_731, %dma_start3A_732] : memref<2x8x208x32xf32, #tpu.memory_space<vmem>> -> memref<1x1x200x32xf32, #tpu.memory_space<vmem>>
      %dma_start3A_734 = tpu.memref_squeeze %dma_start3A_733 : memref<1x1x200x32xf32, #tpu.memory_space<vmem>> -> memref<200x32xf32, #tpu.memory_space<vmem>>
      %dma_start3A_735 = arith.constant 0 : i32
      %dma_start3A_736 = tpu.memref_slice %arg6[%dma_start3A_727, %dma_start3A_728, %dma_start3A_735] : memref<2x8x200xi32, #tpu.memory_space<vmem>> -> memref<1x1x200xi32, #tpu.memory_space<vmem>>
      %dma_start3A_737 = tpu.memref_squeeze %dma_start3A_736 : memref<1x1x200xi32, #tpu.memory_space<vmem>> -> memref<200xi32, #tpu.memory_space<vmem>>
      %dma_start3A_738 = arith.constant 0 : i32
      %dma_start3A_739 = arith.constant 0 : i32
      %dma_start3A_740 = tpu.memref_slice %arg3[%dma_start3A_738, %dma_start3A_739] : memref<1000000x32xf32, #tpu.memory_space<hbm>> -> memref<1000000x32xf32, #tpu.memory_space<hbm>>
      tpu.enqueue_indirect_dma source(%dma_start3A_740 : memref<1000000x32xf32, #tpu.memory_space<hbm>>) target(%dma_start3A_734 : memref<200x32xf32, #tpu.memory_space<vmem>>) offsets(%dma_start3A_737 : memref<200xi32, #tpu.memory_space<vmem>>) semaphore(%arg11 : memref<!tpu.dma_semaphore, #tpu.memory_space<semaphore_mem>>)
      %dma_start3A_741 = arith.constant 1 : i32
      %dma_start3A_742 = arith.constant 7 : i32
      %dma_start3A_743 = arith.constant 1 : i32
      %dma_start3A_744 = arith.constant 7 : i32
      %dma_start3A_745 = arith.constant 1 : i32
      %dma_start3A_746 = arith.constant 0 : i32
      %dma_start3A_747 = tpu.memref_slice %arg7[%dma_start3A_743, %dma_start3A_744, %dma_start3A_745, %dma_start3A_746] : memref<2x8x208x32xf32, #tpu.memory_space<vmem>> -> memref<1x1x200x32xf32, #tpu.memory_space<vmem>>
      %dma_start3A_748 = tpu.memref_squeeze %dma_start3A_747 : memref<1x1x200x32xf32, #tpu.memory_space<vmem>> -> memref<200x32xf32, #tpu.memory_space<vmem>>
      %dma_start3A_749 = arith.constant 0 : i32
      %dma_start3A_750 = tpu.memref_slice %arg6[%dma_start3A_741, %dma_start3A_742, %dma_start3A_749] : memref<2x8x200xi32, #tpu.memory_space<vmem>> -> memref<1x1x200xi32, #tpu.memory_space<vmem>>
      %dma_start3A_751 = tpu.memref_squeeze %dma_start3A_750 : memref<1x1x200xi32, #tpu.memory_space<vmem>> -> memref<200xi32, #tpu.memory_space<vmem>>
      %dma_start3A_752 = arith.constant 0 : i32
      %dma_start3A_753 = arith.constant 0 : i32
      %dma_start3A_754 = tpu.memref_slice %arg3[%dma_start3A_752, %dma_start3A_753] : memref<1000000x32xf32, #tpu.memory_space<hbm>> -> memref<1000000x32xf32, #tpu.memory_space<hbm>>
      tpu.enqueue_indirect_dma source(%dma_start3A_754 : memref<1000000x32xf32, #tpu.memory_space<hbm>>) target(%dma_start3A_748 : memref<200x32xf32, #tpu.memory_space<vmem>>) offsets(%dma_start3A_751 : memref<200xi32, #tpu.memory_space<vmem>>) semaphore(%arg11 : memref<!tpu.dma_semaphore, #tpu.memory_space<semaphore_mem>>)
      %dma_wait3A_755 = arith.constant 0 : i32
      %dma_wait3A_756 = arith.constant 0 : i32
      %dma_wait3A_757 = arith.constant 0 : i32
      %dma_wait3A_758 = arith.constant 0 : i32
      %dma_wait3A_759 = arith.constant 1 : i32
      %dma_wait3A_760 = arith.constant 0 : i32
      %dma_wait3A_761 = tpu.memref_slice %arg7[%dma_wait3A_757, %dma_wait3A_758, %dma_wait3A_759, %dma_wait3A_760] : memref<2x8x208x32xf32, #tpu.memory_space<vmem>> -> memref<1x1x200x32xf32, #tpu.memory_space<vmem>>
      %dma_wait3A_762 = tpu.memref_squeeze %dma_wait3A_761 : memref<1x1x200x32xf32, #tpu.memory_space<vmem>> -> memref<200x32xf32, #tpu.memory_space<vmem>>
      %dma_wait3A_763 = arith.constant 0 : i32
      %dma_wait3A_764 = tpu.memref_slice %arg6[%dma_wait3A_755, %dma_wait3A_756, %dma_wait3A_763] : memref<2x8x200xi32, #tpu.memory_space<vmem>> -> memref<1x1x200xi32, #tpu.memory_space<vmem>>
      %dma_wait3A_765 = tpu.memref_squeeze %dma_wait3A_764 : memref<1x1x200xi32, #tpu.memory_space<vmem>> -> memref<200xi32, #tpu.memory_space<vmem>>
      %dma_wait3A_766 = arith.constant 0 : i32
      %dma_wait3A_767 = arith.constant 0 : i32
      %dma_wait3A_768 = tpu.memref_slice %arg3[%dma_wait3A_766, %dma_wait3A_767] : memref<1000000x32xf32, #tpu.memory_space<hbm>> -> memref<1000000x32xf32, #tpu.memory_space<hbm>>
      tpu.wait_indirect_dma semaphore(%arg10 : memref<!tpu.dma_semaphore, #tpu.memory_space<semaphore_mem>>) src(%dma_wait3A_768 : memref<1000000x32xf32, #tpu.memory_space<hbm>>) dst(%dma_wait3A_762 : memref<200x32xf32, #tpu.memory_space<vmem>>)
      %dma_wait3A_769 = arith.constant 0 : i32
      %dma_wait3A_770 = arith.constant 1 : i32
      %dma_wait3A_771 = arith.constant 0 : i32
      %dma_wait3A_772 = arith.constant 1 : i32
      %dma_wait3A_773 = arith.constant 1 : i32
      %dma_wait3A_774 = arith.constant 0 : i32
      %dma_wait3A_775 = tpu.memref_slice %arg7[%dma_wait3A_771, %dma_wait3A_772, %dma_wait3A_773, %dma_wait3A_774] : memref<2x8x208x32xf32, #tpu.memory_space<vmem>> -> memref<1x1x200x32xf32, #tpu.memory_space<vmem>>
      %dma_wait3A_776 = tpu.memref_squeeze %dma_wait3A_775 : memref<1x1x200x32xf32, #tpu.memory_space<vmem>> -> memref<200x32xf32, #tpu.memory_space<vmem>>
      %dma_wait3A_777 = arith.constant 0 : i32
      %dma_wait3A_778 = tpu.memref_slice %arg6[%dma_wait3A_769, %dma_wait3A_770, %dma_wait3A_777] : memref<2x8x200xi32, #tpu.memory_space<vmem>> -> memref<1x1x200xi32, #tpu.memory_space<vmem>>
      %dma_wait3A_779 = tpu.memref_squeeze %dma_wait3A_778 : memref<1x1x200xi32, #tpu.memory_space<vmem>> -> memref<200xi32, #tpu.memory_space<vmem>>
      %dma_wait3A_780 = arith.constant 0 : i32
      %dma_wait3A_781 = arith.constant 0 : i32
      %dma_wait3A_782 = tpu.memref_slice %arg3[%dma_wait3A_780, %dma_wait3A_781] : memref<1000000x32xf32, #tpu.memory_space<hbm>> -> memref<1000000x32xf32, #tpu.memory_space<hbm>>
      tpu.wait_indirect_dma semaphore(%arg10 : memref<!tpu.dma_semaphore, #tpu.memory_space<semaphore_mem>>) src(%dma_wait3A_782 : memref<1000000x32xf32, #tpu.memory_space<hbm>>) dst(%dma_wait3A_776 : memref<200x32xf32, #tpu.memory_space<vmem>>)
      %dma_wait3A_783 = arith.constant 0 : i32
      %dma_wait3A_784 = arith.constant 2 : i32
      %dma_wait3A_785 = arith.constant 0 : i32
      %dma_wait3A_786 = arith.constant 2 : i32
      %dma_wait3A_787 = arith.constant 1 : i32
      %dma_wait3A_788 = arith.constant 0 : i32
      %dma_wait3A_789 = tpu.memref_slice %arg7[%dma_wait3A_785, %dma_wait3A_786, %dma_wait3A_787, %dma_wait3A_788] : memref<2x8x208x32xf32, #tpu.memory_space<vmem>> -> memref<1x1x200x32xf32, #tpu.memory_space<vmem>>
      %dma_wait3A_790 = tpu.memref_squeeze %dma_wait3A_789 : memref<1x1x200x32xf32, #tpu.memory_space<vmem>> -> memref<200x32xf32, #tpu.memory_space<vmem>>
      %dma_wait3A_791 = arith.constant 0 : i32
      %dma_wait3A_792 = tpu.memref_slice %arg6[%dma_wait3A_783, %dma_wait3A_784, %dma_wait3A_791] : memref<2x8x200xi32, #tpu.memory_space<vmem>> -> memref<1x1x200xi32, #tpu.memory_space<vmem>>
      %dma_wait3A_793 = tpu.memref_squeeze %dma_wait3A_792 : memref<1x1x200xi32, #tpu.memory_space<vmem>> -> memref<200xi32, #tpu.memory_space<vmem>>
      %dma_wait3A_794 = arith.constant 0 : i32
      %dma_wait3A_795 = arith.constant 0 : i32
      %dma_wait3A_796 = tpu.memref_slice %arg3[%dma_wait3A_794, %dma_wait3A_795] : memref<1000000x32xf32, #tpu.memory_space<hbm>> -> memref<1000000x32xf32, #tpu.memory_space<hbm>>
      tpu.wait_indirect_dma semaphore(%arg10 : memref<!tpu.dma_semaphore, #tpu.memory_space<semaphore_mem>>) src(%dma_wait3A_796 : memref<1000000x32xf32, #tpu.memory_space<hbm>>) dst(%dma_wait3A_790 : memref<200x32xf32, #tpu.memory_space<vmem>>)
      %dma_wait3A_797 = arith.constant 0 : i32
      %dma_wait3A_798 = arith.constant 3 : i32
      %dma_wait3A_799 = arith.constant 0 : i32
      %dma_wait3A_800 = arith.constant 3 : i32
      %dma_wait3A_801 = arith.constant 1 : i32
      %dma_wait3A_802 = arith.constant 0 : i32
      %dma_wait3A_803 = tpu.memref_slice %arg7[%dma_wait3A_799, %dma_wait3A_800, %dma_wait3A_801, %dma_wait3A_802] : memref<2x8x208x32xf32, #tpu.memory_space<vmem>> -> memref<1x1x200x32xf32, #tpu.memory_space<vmem>>
      %dma_wait3A_804 = tpu.memref_squeeze %dma_wait3A_803 : memref<1x1x200x32xf32, #tpu.memory_space<vmem>> -> memref<200x32xf32, #tpu.memory_space<vmem>>
      %dma_wait3A_805 = arith.constant 0 : i32
      %dma_wait3A_806 = tpu.memref_slice %arg6[%dma_wait3A_797, %dma_wait3A_798, %dma_wait3A_805] : memref<2x8x200xi32, #tpu.memory_space<vmem>> -> memref<1x1x200xi32, #tpu.memory_space<vmem>>
      %dma_wait3A_807 = tpu.memref_squeeze %dma_wait3A_806 : memref<1x1x200xi32, #tpu.memory_space<vmem>> -> memref<200xi32, #tpu.memory_space<vmem>>
      %dma_wait3A_808 = arith.constant 0 : i32
      %dma_wait3A_809 = arith.constant 0 : i32
      %dma_wait3A_810 = tpu.memref_slice %arg3[%dma_wait3A_808, %dma_wait3A_809] : memref<1000000x32xf32, #tpu.memory_space<hbm>> -> memref<1000000x32xf32, #tpu.memory_space<hbm>>
      tpu.wait_indirect_dma semaphore(%arg10 : memref<!tpu.dma_semaphore, #tpu.memory_space<semaphore_mem>>) src(%dma_wait3A_810 : memref<1000000x32xf32, #tpu.memory_space<hbm>>) dst(%dma_wait3A_804 : memref<200x32xf32, #tpu.memory_space<vmem>>)
      %dma_wait3A_811 = arith.constant 0 : i32
      %dma_wait3A_812 = arith.constant 4 : i32
      %dma_wait3A_813 = arith.constant 0 : i32
      %dma_wait3A_814 = arith.constant 4 : i32
      %dma_wait3A_815 = arith.constant 1 : i32
      %dma_wait3A_816 = arith.constant 0 : i32
      %dma_wait3A_817 = tpu.memref_slice %arg7[%dma_wait3A_813, %dma_wait3A_814, %dma_wait3A_815, %dma_wait3A_816] : memref<2x8x208x32xf32, #tpu.memory_space<vmem>> -> memref<1x1x200x32xf32, #tpu.memory_space<vmem>>
      %dma_wait3A_818 = tpu.memref_squeeze %dma_wait3A_817 : memref<1x1x200x32xf32, #tpu.memory_space<vmem>> -> memref<200x32xf32, #tpu.memory_space<vmem>>
      %dma_wait3A_819 = arith.constant 0 : i32
      %dma_wait3A_820 = tpu.memref_slice %arg6[%dma_wait3A_811, %dma_wait3A_812, %dma_wait3A_819] : memref<2x8x200xi32, #tpu.memory_space<vmem>> -> memref<1x1x200xi32, #tpu.memory_space<vmem>>
      %dma_wait3A_821 = tpu.memref_squeeze %dma_wait3A_820 : memref<1x1x200xi32, #tpu.memory_space<vmem>> -> memref<200xi32, #tpu.memory_space<vmem>>
      %dma_wait3A_822 = arith.constant 0 : i32
      %dma_wait3A_823 = arith.constant 0 : i32
      %dma_wait3A_824 = tpu.memref_slice %arg3[%dma_wait3A_822, %dma_wait3A_823] : memref<1000000x32xf32, #tpu.memory_space<hbm>> -> memref<1000000x32xf32, #tpu.memory_space<hbm>>
      tpu.wait_indirect_dma semaphore(%arg10 : memref<!tpu.dma_semaphore, #tpu.memory_space<semaphore_mem>>) src(%dma_wait3A_824 : memref<1000000x32xf32, #tpu.memory_space<hbm>>) dst(%dma_wait3A_818 : memref<200x32xf32, #tpu.memory_space<vmem>>)
      %dma_wait3A_825 = arith.constant 0 : i32
      %dma_wait3A_826 = arith.constant 5 : i32
      %dma_wait3A_827 = arith.constant 0 : i32
      %dma_wait3A_828 = arith.constant 5 : i32
      %dma_wait3A_829 = arith.constant 1 : i32
      %dma_wait3A_830 = arith.constant 0 : i32
      %dma_wait3A_831 = tpu.memref_slice %arg7[%dma_wait3A_827, %dma_wait3A_828, %dma_wait3A_829, %dma_wait3A_830] : memref<2x8x208x32xf32, #tpu.memory_space<vmem>> -> memref<1x1x200x32xf32, #tpu.memory_space<vmem>>
      %dma_wait3A_832 = tpu.memref_squeeze %dma_wait3A_831 : memref<1x1x200x32xf32, #tpu.memory_space<vmem>> -> memref<200x32xf32, #tpu.memory_space<vmem>>
      %dma_wait3A_833 = arith.constant 0 : i32
      %dma_wait3A_834 = tpu.memref_slice %arg6[%dma_wait3A_825, %dma_wait3A_826, %dma_wait3A_833] : memref<2x8x200xi32, #tpu.memory_space<vmem>> -> memref<1x1x200xi32, #tpu.memory_space<vmem>>
      %dma_wait3A_835 = tpu.memref_squeeze %dma_wait3A_834 : memref<1x1x200xi32, #tpu.memory_space<vmem>> -> memref<200xi32, #tpu.memory_space<vmem>>
      %dma_wait3A_836 = arith.constant 0 : i32
      %dma_wait3A_837 = arith.constant 0 : i32
      %dma_wait3A_838 = tpu.memref_slice %arg3[%dma_wait3A_836, %dma_wait3A_837] : memref<1000000x32xf32, #tpu.memory_space<hbm>> -> memref<1000000x32xf32, #tpu.memory_space<hbm>>
      tpu.wait_indirect_dma semaphore(%arg10 : memref<!tpu.dma_semaphore, #tpu.memory_space<semaphore_mem>>) src(%dma_wait3A_838 : memref<1000000x32xf32, #tpu.memory_space<hbm>>) dst(%dma_wait3A_832 : memref<200x32xf32, #tpu.memory_space<vmem>>)
      %dma_wait3A_839 = arith.constant 0 : i32
      %dma_wait3A_840 = arith.constant 6 : i32
      %dma_wait3A_841 = arith.constant 0 : i32
      %dma_wait3A_842 = arith.constant 6 : i32
      %dma_wait3A_843 = arith.constant 1 : i32
      %dma_wait3A_844 = arith.constant 0 : i32
      %dma_wait3A_845 = tpu.memref_slice %arg7[%dma_wait3A_841, %dma_wait3A_842, %dma_wait3A_843, %dma_wait3A_844] : memref<2x8x208x32xf32, #tpu.memory_space<vmem>> -> memref<1x1x200x32xf32, #tpu.memory_space<vmem>>
      %dma_wait3A_846 = tpu.memref_squeeze %dma_wait3A_845 : memref<1x1x200x32xf32, #tpu.memory_space<vmem>> -> memref<200x32xf32, #tpu.memory_space<vmem>>
      %dma_wait3A_847 = arith.constant 0 : i32
      %dma_wait3A_848 = tpu.memref_slice %arg6[%dma_wait3A_839, %dma_wait3A_840, %dma_wait3A_847] : memref<2x8x200xi32, #tpu.memory_space<vmem>> -> memref<1x1x200xi32, #tpu.memory_space<vmem>>
      %dma_wait3A_849 = tpu.memref_squeeze %dma_wait3A_848 : memref<1x1x200xi32, #tpu.memory_space<vmem>> -> memref<200xi32, #tpu.memory_space<vmem>>
      %dma_wait3A_850 = arith.constant 0 : i32
      %dma_wait3A_851 = arith.constant 0 : i32
      %dma_wait3A_852 = tpu.memref_slice %arg3[%dma_wait3A_850, %dma_wait3A_851] : memref<1000000x32xf32, #tpu.memory_space<hbm>> -> memref<1000000x32xf32, #tpu.memory_space<hbm>>
      tpu.wait_indirect_dma semaphore(%arg10 : memref<!tpu.dma_semaphore, #tpu.memory_space<semaphore_mem>>) src(%dma_wait3A_852 : memref<1000000x32xf32, #tpu.memory_space<hbm>>) dst(%dma_wait3A_846 : memref<200x32xf32, #tpu.memory_space<vmem>>)
      %dma_wait3A_853 = arith.constant 0 : i32
      %dma_wait3A_854 = arith.constant 7 : i32
      %dma_wait3A_855 = arith.constant 0 : i32
      %dma_wait3A_856 = arith.constant 7 : i32
      %dma_wait3A_857 = arith.constant 1 : i32
      %dma_wait3A_858 = arith.constant 0 : i32
      %dma_wait3A_859 = tpu.memref_slice %arg7[%dma_wait3A_855, %dma_wait3A_856, %dma_wait3A_857, %dma_wait3A_858] : memref<2x8x208x32xf32, #tpu.memory_space<vmem>> -> memref<1x1x200x32xf32, #tpu.memory_space<vmem>>
      %dma_wait3A_860 = tpu.memref_squeeze %dma_wait3A_859 : memref<1x1x200x32xf32, #tpu.memory_space<vmem>> -> memref<200x32xf32, #tpu.memory_space<vmem>>
      %dma_wait3A_861 = arith.constant 0 : i32
      %dma_wait3A_862 = tpu.memref_slice %arg6[%dma_wait3A_853, %dma_wait3A_854, %dma_wait3A_861] : memref<2x8x200xi32, #tpu.memory_space<vmem>> -> memref<1x1x200xi32, #tpu.memory_space<vmem>>
      %dma_wait3A_863 = tpu.memref_squeeze %dma_wait3A_862 : memref<1x1x200xi32, #tpu.memory_space<vmem>> -> memref<200xi32, #tpu.memory_space<vmem>>
      %dma_wait3A_864 = arith.constant 0 : i32
      %dma_wait3A_865 = arith.constant 0 : i32
      %dma_wait3A_866 = tpu.memref_slice %arg3[%dma_wait3A_864, %dma_wait3A_865] : memref<1000000x32xf32, #tpu.memory_space<hbm>> -> memref<1000000x32xf32, #tpu.memory_space<hbm>>
      tpu.wait_indirect_dma semaphore(%arg10 : memref<!tpu.dma_semaphore, #tpu.memory_space<semaphore_mem>>) src(%dma_wait3A_866 : memref<1000000x32xf32, #tpu.memory_space<hbm>>) dst(%dma_wait3A_860 : memref<200x32xf32, #tpu.memory_space<vmem>>)
      %sub3A = arith.constant 1 : i32
      %sub3A_867 = arith.subi %add3A_473, %sub3A : i32
      %mul3A_868 = arith.constant 8 : i32
      %mul3A_869 = arith.muli %sub3A_867, %mul3A_868 : i32
      %add3A_870 = arith.addi %mul3A_2, %mul3A_869 : i32
      %dma_start3A_871 = arith.constant 0 : i32
      %dma_start3A_872 = arith.constant 0 : i32
      %dma_start3A_873 = arith.constant 0 : i32
      %dma_start3A_874 = arith.constant 0 : i32
      %dma_start3A_875 = tpu.memref_slice %arg7[%dma_start3A_871, %dma_start3A_872, %dma_start3A_873, %dma_start3A_874] : memref<2x8x208x32xf32, #tpu.memory_space<vmem>> -> memref<1x8x208x32xf32, #tpu.memory_space<vmem>>
      %dma_start3A_876 = tpu.memref_squeeze %dma_start3A_875 : memref<1x8x208x32xf32, #tpu.memory_space<vmem>> -> memref<8x208x32xf32, #tpu.memory_space<vmem>>
      %dma_start3A_877 = arith.constant 0 : i32
      %dma_start3A_878 = arith.constant 0 : i32
      %dma_start3A_879 = tpu.memref_slice %arg5[%add3A_870, %dma_start3A_877, %dma_start3A_878] : memref<4096x208x32xf32, #tpu.memory_space<hbm>> -> memref<8x208x32xf32, #tpu.memory_space<hbm>>
      %dma_start3A_880 = arith.constant 0 : i32
      %dma_start3A_881 = arith.constant 0 : i32
      %dma_start3A_882 = tpu.memref_slice %arg5[%add3A_870, %dma_start3A_880, %dma_start3A_881] : memref<4096x208x32xf32, #tpu.memory_space<hbm>> -> memref<8x208x32xf32, #tpu.memory_space<hbm>>
      %dma_start3A_883 = arith.constant 0 : i32
      %dma_start3A_884 = arith.constant 0 : i32
      %dma_start3A_885 = arith.constant 0 : i32
      %dma_start3A_886 = tpu.memref_slice %arg7[%dma_start3A_871, %dma_start3A_883, %dma_start3A_884, %dma_start3A_885] : memref<2x8x208x32xf32, #tpu.memory_space<vmem>> -> memref<1x8x208x32xf32, #tpu.memory_space<vmem>>
      %dma_start3A_887 = tpu.memref_squeeze %dma_start3A_886 : memref<1x8x208x32xf32, #tpu.memory_space<vmem>> -> memref<8x208x32xf32, #tpu.memory_space<vmem>>
      tpu.enqueue_dma source(%dma_start3A_887 : memref<8x208x32xf32, #tpu.memory_space<vmem>>) target(%dma_start3A_882 : memref<8x208x32xf32, #tpu.memory_space<hbm>>) target_semaphore(%arg12 : memref<!tpu.dma_semaphore, #tpu.memory_space<semaphore_mem>>)
    }
    %scan3A_16 = arith.constant 8 : i32
    %dma_wait3A = arith.constant 1 : i32
    %dma_wait3A_17 = arith.constant 0 : i32
    %dma_wait3A_18 = arith.constant 1 : i32
    %dma_wait3A_19 = arith.constant 0 : i32
    %dma_wait3A_20 = arith.constant 1 : i32
    %dma_wait3A_21 = arith.constant 0 : i32
    %dma_wait3A_22 = tpu.memref_slice %arg7[%dma_wait3A_18, %dma_wait3A_19, %dma_wait3A_20, %dma_wait3A_21] : memref<2x8x208x32xf32, #tpu.memory_space<vmem>> -> memref<1x1x200x32xf32, #tpu.memory_space<vmem>>
    %dma_wait3A_23 = tpu.memref_squeeze %dma_wait3A_22 : memref<1x1x200x32xf32, #tpu.memory_space<vmem>> -> memref<200x32xf32, #tpu.memory_space<vmem>>
    %dma_wait3A_24 = arith.constant 0 : i32
    %dma_wait3A_25 = tpu.memref_slice %arg6[%dma_wait3A, %dma_wait3A_17, %dma_wait3A_24] : memref<2x8x200xi32, #tpu.memory_space<vmem>> -> memref<1x1x200xi32, #tpu.memory_space<vmem>>
    %dma_wait3A_26 = tpu.memref_squeeze %dma_wait3A_25 : memref<1x1x200xi32, #tpu.memory_space<vmem>> -> memref<200xi32, #tpu.memory_space<vmem>>
    %dma_wait3A_27 = arith.constant 0 : i32
    %dma_wait3A_28 = arith.constant 0 : i32
    %dma_wait3A_29 = tpu.memref_slice %arg3[%dma_wait3A_27, %dma_wait3A_28] : memref<1000000x32xf32, #tpu.memory_space<hbm>> -> memref<1000000x32xf32, #tpu.memory_space<hbm>>
    tpu.wait_indirect_dma semaphore(%arg11 : memref<!tpu.dma_semaphore, #tpu.memory_space<semaphore_mem>>) src(%dma_wait3A_29 : memref<1000000x32xf32, #tpu.memory_space<hbm>>) dst(%dma_wait3A_23 : memref<200x32xf32, #tpu.memory_space<vmem>>)
    %dma_wait3A_30 = arith.constant 1 : i32
    %dma_wait3A_31 = arith.constant 1 : i32
    %dma_wait3A_32 = arith.constant 1 : i32
    %dma_wait3A_33 = arith.constant 1 : i32
    %dma_wait3A_34 = arith.constant 1 : i32
    %dma_wait3A_35 = arith.constant 0 : i32
    %dma_wait3A_36 = tpu.memref_slice %arg7[%dma_wait3A_32, %dma_wait3A_33, %dma_wait3A_34, %dma_wait3A_35] : memref<2x8x208x32xf32, #tpu.memory_space<vmem>> -> memref<1x1x200x32xf32, #tpu.memory_space<vmem>>
    %dma_wait3A_37 = tpu.memref_squeeze %dma_wait3A_36 : memref<1x1x200x32xf32, #tpu.memory_space<vmem>> -> memref<200x32xf32, #tpu.memory_space<vmem>>
    %dma_wait3A_38 = arith.constant 0 : i32
    %dma_wait3A_39 = tpu.memref_slice %arg6[%dma_wait3A_30, %dma_wait3A_31, %dma_wait3A_38] : memref<2x8x200xi32, #tpu.memory_space<vmem>> -> memref<1x1x200xi32, #tpu.memory_space<vmem>>
    %dma_wait3A_40 = tpu.memref_squeeze %dma_wait3A_39 : memref<1x1x200xi32, #tpu.memory_space<vmem>> -> memref<200xi32, #tpu.memory_space<vmem>>
    %dma_wait3A_41 = arith.constant 0 : i32
    %dma_wait3A_42 = arith.constant 0 : i32
    %dma_wait3A_43 = tpu.memref_slice %arg3[%dma_wait3A_41, %dma_wait3A_42] : memref<1000000x32xf32, #tpu.memory_space<hbm>> -> memref<1000000x32xf32, #tpu.memory_space<hbm>>
    tpu.wait_indirect_dma semaphore(%arg11 : memref<!tpu.dma_semaphore, #tpu.memory_space<semaphore_mem>>) src(%dma_wait3A_43 : memref<1000000x32xf32, #tpu.memory_space<hbm>>) dst(%dma_wait3A_37 : memref<200x32xf32, #tpu.memory_space<vmem>>)
    %dma_wait3A_44 = arith.constant 1 : i32
    %dma_wait3A_45 = arith.constant 2 : i32
    %dma_wait3A_46 = arith.constant 1 : i32
    %dma_wait3A_47 = arith.constant 2 : i32
    %dma_wait3A_48 = arith.constant 1 : i32
    %dma_wait3A_49 = arith.constant 0 : i32
    %dma_wait3A_50 = tpu.memref_slice %arg7[%dma_wait3A_46, %dma_wait3A_47, %dma_wait3A_48, %dma_wait3A_49] : memref<2x8x208x32xf32, #tpu.memory_space<vmem>> -> memref<1x1x200x32xf32, #tpu.memory_space<vmem>>
    %dma_wait3A_51 = tpu.memref_squeeze %dma_wait3A_50 : memref<1x1x200x32xf32, #tpu.memory_space<vmem>> -> memref<200x32xf32, #tpu.memory_space<vmem>>
    %dma_wait3A_52 = arith.constant 0 : i32
    %dma_wait3A_53 = tpu.memref_slice %arg6[%dma_wait3A_44, %dma_wait3A_45, %dma_wait3A_52] : memref<2x8x200xi32, #tpu.memory_space<vmem>> -> memref<1x1x200xi32, #tpu.memory_space<vmem>>
    %dma_wait3A_54 = tpu.memref_squeeze %dma_wait3A_53 : memref<1x1x200xi32, #tpu.memory_space<vmem>> -> memref<200xi32, #tpu.memory_space<vmem>>
    %dma_wait3A_55 = arith.constant 0 : i32
    %dma_wait3A_56 = arith.constant 0 : i32
    %dma_wait3A_57 = tpu.memref_slice %arg3[%dma_wait3A_55, %dma_wait3A_56] : memref<1000000x32xf32, #tpu.memory_space<hbm>> -> memref<1000000x32xf32, #tpu.memory_space<hbm>>
    tpu.wait_indirect_dma semaphore(%arg11 : memref<!tpu.dma_semaphore, #tpu.memory_space<semaphore_mem>>) src(%dma_wait3A_57 : memref<1000000x32xf32, #tpu.memory_space<hbm>>) dst(%dma_wait3A_51 : memref<200x32xf32, #tpu.memory_space<vmem>>)
    %dma_wait3A_58 = arith.constant 1 : i32
    %dma_wait3A_59 = arith.constant 3 : i32
    %dma_wait3A_60 = arith.constant 1 : i32
    %dma_wait3A_61 = arith.constant 3 : i32
    %dma_wait3A_62 = arith.constant 1 : i32
    %dma_wait3A_63 = arith.constant 0 : i32
    %dma_wait3A_64 = tpu.memref_slice %arg7[%dma_wait3A_60, %dma_wait3A_61, %dma_wait3A_62, %dma_wait3A_63] : memref<2x8x208x32xf32, #tpu.memory_space<vmem>> -> memref<1x1x200x32xf32, #tpu.memory_space<vmem>>
    %dma_wait3A_65 = tpu.memref_squeeze %dma_wait3A_64 : memref<1x1x200x32xf32, #tpu.memory_space<vmem>> -> memref<200x32xf32, #tpu.memory_space<vmem>>
    %dma_wait3A_66 = arith.constant 0 : i32
    %dma_wait3A_67 = tpu.memref_slice %arg6[%dma_wait3A_58, %dma_wait3A_59, %dma_wait3A_66] : memref<2x8x200xi32, #tpu.memory_space<vmem>> -> memref<1x1x200xi32, #tpu.memory_space<vmem>>
    %dma_wait3A_68 = tpu.memref_squeeze %dma_wait3A_67 : memref<1x1x200xi32, #tpu.memory_space<vmem>> -> memref<200xi32, #tpu.memory_space<vmem>>
    %dma_wait3A_69 = arith.constant 0 : i32
    %dma_wait3A_70 = arith.constant 0 : i32
    %dma_wait3A_71 = tpu.memref_slice %arg3[%dma_wait3A_69, %dma_wait3A_70] : memref<1000000x32xf32, #tpu.memory_space<hbm>> -> memref<1000000x32xf32, #tpu.memory_space<hbm>>
    tpu.wait_indirect_dma semaphore(%arg11 : memref<!tpu.dma_semaphore, #tpu.memory_space<semaphore_mem>>) src(%dma_wait3A_71 : memref<1000000x32xf32, #tpu.memory_space<hbm>>) dst(%dma_wait3A_65 : memref<200x32xf32, #tpu.memory_space<vmem>>)
    %dma_wait3A_72 = arith.constant 1 : i32
    %dma_wait3A_73 = arith.constant 4 : i32
    %dma_wait3A_74 = arith.constant 1 : i32
    %dma_wait3A_75 = arith.constant 4 : i32
    %dma_wait3A_76 = arith.constant 1 : i32
    %dma_wait3A_77 = arith.constant 0 : i32
    %dma_wait3A_78 = tpu.memref_slice %arg7[%dma_wait3A_74, %dma_wait3A_75, %dma_wait3A_76, %dma_wait3A_77] : memref<2x8x208x32xf32, #tpu.memory_space<vmem>> -> memref<1x1x200x32xf32, #tpu.memory_space<vmem>>
    %dma_wait3A_79 = tpu.memref_squeeze %dma_wait3A_78 : memref<1x1x200x32xf32, #tpu.memory_space<vmem>> -> memref<200x32xf32, #tpu.memory_space<vmem>>
    %dma_wait3A_80 = arith.constant 0 : i32
    %dma_wait3A_81 = tpu.memref_slice %arg6[%dma_wait3A_72, %dma_wait3A_73, %dma_wait3A_80] : memref<2x8x200xi32, #tpu.memory_space<vmem>> -> memref<1x1x200xi32, #tpu.memory_space<vmem>>
    %dma_wait3A_82 = tpu.memref_squeeze %dma_wait3A_81 : memref<1x1x200xi32, #tpu.memory_space<vmem>> -> memref<200xi32, #tpu.memory_space<vmem>>
    %dma_wait3A_83 = arith.constant 0 : i32
    %dma_wait3A_84 = arith.constant 0 : i32
    %dma_wait3A_85 = tpu.memref_slice %arg3[%dma_wait3A_83, %dma_wait3A_84] : memref<1000000x32xf32, #tpu.memory_space<hbm>> -> memref<1000000x32xf32, #tpu.memory_space<hbm>>
    tpu.wait_indirect_dma semaphore(%arg11 : memref<!tpu.dma_semaphore, #tpu.memory_space<semaphore_mem>>) src(%dma_wait3A_85 : memref<1000000x32xf32, #tpu.memory_space<hbm>>) dst(%dma_wait3A_79 : memref<200x32xf32, #tpu.memory_space<vmem>>)
    %dma_wait3A_86 = arith.constant 1 : i32
    %dma_wait3A_87 = arith.constant 5 : i32
    %dma_wait3A_88 = arith.constant 1 : i32
    %dma_wait3A_89 = arith.constant 5 : i32
    %dma_wait3A_90 = arith.constant 1 : i32
    %dma_wait3A_91 = arith.constant 0 : i32
    %dma_wait3A_92 = tpu.memref_slice %arg7[%dma_wait3A_88, %dma_wait3A_89, %dma_wait3A_90, %dma_wait3A_91] : memref<2x8x208x32xf32, #tpu.memory_space<vmem>> -> memref<1x1x200x32xf32, #tpu.memory_space<vmem>>
    %dma_wait3A_93 = tpu.memref_squeeze %dma_wait3A_92 : memref<1x1x200x32xf32, #tpu.memory_space<vmem>> -> memref<200x32xf32, #tpu.memory_space<vmem>>
    %dma_wait3A_94 = arith.constant 0 : i32
    %dma_wait3A_95 = tpu.memref_slice %arg6[%dma_wait3A_86, %dma_wait3A_87, %dma_wait3A_94] : memref<2x8x200xi32, #tpu.memory_space<vmem>> -> memref<1x1x200xi32, #tpu.memory_space<vmem>>
    %dma_wait3A_96 = tpu.memref_squeeze %dma_wait3A_95 : memref<1x1x200xi32, #tpu.memory_space<vmem>> -> memref<200xi32, #tpu.memory_space<vmem>>
    %dma_wait3A_97 = arith.constant 0 : i32
    %dma_wait3A_98 = arith.constant 0 : i32
    %dma_wait3A_99 = tpu.memref_slice %arg3[%dma_wait3A_97, %dma_wait3A_98] : memref<1000000x32xf32, #tpu.memory_space<hbm>> -> memref<1000000x32xf32, #tpu.memory_space<hbm>>
    tpu.wait_indirect_dma semaphore(%arg11 : memref<!tpu.dma_semaphore, #tpu.memory_space<semaphore_mem>>) src(%dma_wait3A_99 : memref<1000000x32xf32, #tpu.memory_space<hbm>>) dst(%dma_wait3A_93 : memref<200x32xf32, #tpu.memory_space<vmem>>)
    %dma_wait3A_100 = arith.constant 1 : i32
    %dma_wait3A_101 = arith.constant 6 : i32
    %dma_wait3A_102 = arith.constant 1 : i32
    %dma_wait3A_103 = arith.constant 6 : i32
    %dma_wait3A_104 = arith.constant 1 : i32
    %dma_wait3A_105 = arith.constant 0 : i32
    %dma_wait3A_106 = tpu.memref_slice %arg7[%dma_wait3A_102, %dma_wait3A_103, %dma_wait3A_104, %dma_wait3A_105] : memref<2x8x208x32xf32, #tpu.memory_space<vmem>> -> memref<1x1x200x32xf32, #tpu.memory_space<vmem>>
    %dma_wait3A_107 = tpu.memref_squeeze %dma_wait3A_106 : memref<1x1x200x32xf32, #tpu.memory_space<vmem>> -> memref<200x32xf32, #tpu.memory_space<vmem>>
    %dma_wait3A_108 = arith.constant 0 : i32
    %dma_wait3A_109 = tpu.memref_slice %arg6[%dma_wait3A_100, %dma_wait3A_101, %dma_wait3A_108] : memref<2x8x200xi32, #tpu.memory_space<vmem>> -> memref<1x1x200xi32, #tpu.memory_space<vmem>>
    %dma_wait3A_110 = tpu.memref_squeeze %dma_wait3A_109 : memref<1x1x200xi32, #tpu.memory_space<vmem>> -> memref<200xi32, #tpu.memory_space<vmem>>
    %dma_wait3A_111 = arith.constant 0 : i32
    %dma_wait3A_112 = arith.constant 0 : i32
    %dma_wait3A_113 = tpu.memref_slice %arg3[%dma_wait3A_111, %dma_wait3A_112] : memref<1000000x32xf32, #tpu.memory_space<hbm>> -> memref<1000000x32xf32, #tpu.memory_space<hbm>>
    tpu.wait_indirect_dma semaphore(%arg11 : memref<!tpu.dma_semaphore, #tpu.memory_space<semaphore_mem>>) src(%dma_wait3A_113 : memref<1000000x32xf32, #tpu.memory_space<hbm>>) dst(%dma_wait3A_107 : memref<200x32xf32, #tpu.memory_space<vmem>>)
    %dma_wait3A_114 = arith.constant 1 : i32
    %dma_wait3A_115 = arith.constant 7 : i32
    %dma_wait3A_116 = arith.constant 1 : i32
    %dma_wait3A_117 = arith.constant 7 : i32
    %dma_wait3A_118 = arith.constant 1 : i32
    %dma_wait3A_119 = arith.constant 0 : i32
    %dma_wait3A_120 = tpu.memref_slice %arg7[%dma_wait3A_116, %dma_wait3A_117, %dma_wait3A_118, %dma_wait3A_119] : memref<2x8x208x32xf32, #tpu.memory_space<vmem>> -> memref<1x1x200x32xf32, #tpu.memory_space<vmem>>
    %dma_wait3A_121 = tpu.memref_squeeze %dma_wait3A_120 : memref<1x1x200x32xf32, #tpu.memory_space<vmem>> -> memref<200x32xf32, #tpu.memory_space<vmem>>
    %dma_wait3A_122 = arith.constant 0 : i32
    %dma_wait3A_123 = tpu.memref_slice %arg6[%dma_wait3A_114, %dma_wait3A_115, %dma_wait3A_122] : memref<2x8x200xi32, #tpu.memory_space<vmem>> -> memref<1x1x200xi32, #tpu.memory_space<vmem>>
    %dma_wait3A_124 = tpu.memref_squeeze %dma_wait3A_123 : memref<1x1x200xi32, #tpu.memory_space<vmem>> -> memref<200xi32, #tpu.memory_space<vmem>>
    %dma_wait3A_125 = arith.constant 0 : i32
    %dma_wait3A_126 = arith.constant 0 : i32
    %dma_wait3A_127 = tpu.memref_slice %arg3[%dma_wait3A_125, %dma_wait3A_126] : memref<1000000x32xf32, #tpu.memory_space<hbm>> -> memref<1000000x32xf32, #tpu.memory_space<hbm>>
    tpu.wait_indirect_dma semaphore(%arg11 : memref<!tpu.dma_semaphore, #tpu.memory_space<semaphore_mem>>) src(%dma_wait3A_127 : memref<1000000x32xf32, #tpu.memory_space<hbm>>) dst(%dma_wait3A_121 : memref<200x32xf32, #tpu.memory_space<vmem>>)
    %add3A_128 = arith.constant 120 : i32
    %add3A_129 = arith.addi %mul3A_2, %add3A_128 : i32
    %dma_start3A = arith.constant 1 : i32
    %dma_start3A_130 = arith.constant 0 : i32
    %dma_start3A_131 = arith.constant 0 : i32
    %dma_start3A_132 = arith.constant 0 : i32
    %dma_start3A_133 = tpu.memref_slice %arg7[%dma_start3A, %dma_start3A_130, %dma_start3A_131, %dma_start3A_132] : memref<2x8x208x32xf32, #tpu.memory_space<vmem>> -> memref<1x8x208x32xf32, #tpu.memory_space<vmem>>
    %dma_start3A_134 = tpu.memref_squeeze %dma_start3A_133 : memref<1x8x208x32xf32, #tpu.memory_space<vmem>> -> memref<8x208x32xf32, #tpu.memory_space<vmem>>
    %dma_start3A_135 = arith.constant 0 : i32
    %dma_start3A_136 = arith.constant 0 : i32
    %dma_start3A_137 = tpu.memref_slice %arg5[%add3A_129, %dma_start3A_135, %dma_start3A_136] : memref<4096x208x32xf32, #tpu.memory_space<hbm>> -> memref<8x208x32xf32, #tpu.memory_space<hbm>>
    %dma_start3A_138 = arith.constant 0 : i32
    %dma_start3A_139 = arith.constant 0 : i32
    %dma_start3A_140 = tpu.memref_slice %arg5[%add3A_129, %dma_start3A_138, %dma_start3A_139] : memref<4096x208x32xf32, #tpu.memory_space<hbm>> -> memref<8x208x32xf32, #tpu.memory_space<hbm>>
    %dma_start3A_141 = arith.constant 0 : i32
    %dma_start3A_142 = arith.constant 0 : i32
    %dma_start3A_143 = arith.constant 0 : i32
    %dma_start3A_144 = tpu.memref_slice %arg7[%dma_start3A, %dma_start3A_141, %dma_start3A_142, %dma_start3A_143] : memref<2x8x208x32xf32, #tpu.memory_space<vmem>> -> memref<1x8x208x32xf32, #tpu.memory_space<vmem>>
    %dma_start3A_145 = tpu.memref_squeeze %dma_start3A_144 : memref<1x8x208x32xf32, #tpu.memory_space<vmem>> -> memref<8x208x32xf32, #tpu.memory_space<vmem>>
    tpu.enqueue_dma source(%dma_start3A_145 : memref<8x208x32xf32, #tpu.memory_space<vmem>>) target(%dma_start3A_140 : memref<8x208x32xf32, #tpu.memory_space<hbm>>) target_semaphore(%arg13 : memref<!tpu.dma_semaphore, #tpu.memory_space<semaphore_mem>>)
    %add3A_146 = arith.constant 112 : i32
    %add3A_147 = arith.addi %mul3A_2, %add3A_146 : i32
    %dma_wait3A_148 = arith.constant 0 : i32
    %dma_wait3A_149 = arith.constant 0 : i32
    %dma_wait3A_150 = arith.constant 0 : i32
    %dma_wait3A_151 = arith.constant 0 : i32
    %dma_wait3A_152 = tpu.memref_slice %arg7[%dma_wait3A_148, %dma_wait3A_149, %dma_wait3A_150, %dma_wait3A_151] : memref<2x8x208x32xf32, #tpu.memory_space<vmem>> -> memref<1x8x208x32xf32, #tpu.memory_space<vmem>>
    %dma_wait3A_153 = tpu.memref_squeeze %dma_wait3A_152 : memref<1x8x208x32xf32, #tpu.memory_space<vmem>> -> memref<8x208x32xf32, #tpu.memory_space<vmem>>
    %dma_wait3A_154 = arith.constant 0 : i32
    %dma_wait3A_155 = arith.constant 0 : i32
    %dma_wait3A_156 = tpu.memref_slice %arg5[%add3A_147, %dma_wait3A_154, %dma_wait3A_155] : memref<4096x208x32xf32, #tpu.memory_space<hbm>> -> memref<8x208x32xf32, #tpu.memory_space<hbm>>
    %dma_wait3A_157 = arith.constant 0 : i32
    %dma_wait3A_158 = arith.constant 0 : i32
    %dma_wait3A_159 = tpu.memref_slice %arg5[%add3A_147, %dma_wait3A_157, %dma_wait3A_158] : memref<4096x208x32xf32, #tpu.memory_space<hbm>> -> memref<8x208x32xf32, #tpu.memory_space<hbm>>
    %dma_wait3A_160 = arith.constant 0 : i32
    %dma_wait3A_161 = arith.constant 0 : i32
    %dma_wait3A_162 = arith.constant 0 : i32
    %dma_wait3A_163 = tpu.memref_slice %arg7[%dma_wait3A_148, %dma_wait3A_160, %dma_wait3A_161, %dma_wait3A_162] : memref<2x8x208x32xf32, #tpu.memory_space<vmem>> -> memref<1x8x208x32xf32, #tpu.memory_space<vmem>>
    %dma_wait3A_164 = tpu.memref_squeeze %dma_wait3A_163 : memref<1x8x208x32xf32, #tpu.memory_space<vmem>> -> memref<8x208x32xf32, #tpu.memory_space<vmem>>
    tpu.wait_dma2 semaphore(%arg12 : memref<!tpu.dma_semaphore, #tpu.memory_space<semaphore_mem>>) src(%dma_wait3A_164 : memref<8x208x32xf32, #tpu.memory_space<vmem>>) dst(%dma_wait3A_159 : memref<8x208x32xf32, #tpu.memory_space<hbm>>)
    %add3A_165 = arith.constant 120 : i32
    %add3A_166 = arith.addi %mul3A_2, %add3A_165 : i32
    %dma_wait3A_167 = arith.constant 1 : i32
    %dma_wait3A_168 = arith.constant 0 : i32
    %dma_wait3A_169 = arith.constant 0 : i32
    %dma_wait3A_170 = arith.constant 0 : i32
    %dma_wait3A_171 = tpu.memref_slice %arg7[%dma_wait3A_167, %dma_wait3A_168, %dma_wait3A_169, %dma_wait3A_170] : memref<2x8x208x32xf32, #tpu.memory_space<vmem>> -> memref<1x8x208x32xf32, #tpu.memory_space<vmem>>
    %dma_wait3A_172 = tpu.memref_squeeze %dma_wait3A_171 : memref<1x8x208x32xf32, #tpu.memory_space<vmem>> -> memref<8x208x32xf32, #tpu.memory_space<vmem>>
    %dma_wait3A_173 = arith.constant 0 : i32
    %dma_wait3A_174 = arith.constant 0 : i32
    %dma_wait3A_175 = tpu.memref_slice %arg5[%add3A_166, %dma_wait3A_173, %dma_wait3A_174] : memref<4096x208x32xf32, #tpu.memory_space<hbm>> -> memref<8x208x32xf32, #tpu.memory_space<hbm>>
    %dma_wait3A_176 = arith.constant 0 : i32
    %dma_wait3A_177 = arith.constant 0 : i32
    %dma_wait3A_178 = tpu.memref_slice %arg5[%add3A_166, %dma_wait3A_176, %dma_wait3A_177] : memref<4096x208x32xf32, #tpu.memory_space<hbm>> -> memref<8x208x32xf32, #tpu.memory_space<hbm>>
    %dma_wait3A_179 = arith.constant 0 : i32
    %dma_wait3A_180 = arith.constant 0 : i32
    %dma_wait3A_181 = arith.constant 0 : i32
    %dma_wait3A_182 = tpu.memref_slice %arg7[%dma_wait3A_167, %dma_wait3A_179, %dma_wait3A_180, %dma_wait3A_181] : memref<2x8x208x32xf32, #tpu.memory_space<vmem>> -> memref<1x8x208x32xf32, #tpu.memory_space<vmem>>
    %dma_wait3A_183 = tpu.memref_squeeze %dma_wait3A_182 : memref<1x8x208x32xf32, #tpu.memory_space<vmem>> -> memref<8x208x32xf32, #tpu.memory_space<vmem>>
    tpu.wait_dma2 semaphore(%arg13 : memref<!tpu.dma_semaphore, #tpu.memory_space<semaphore_mem>>) src(%dma_wait3A_183 : memref<8x208x32xf32, #tpu.memory_space<vmem>>) dst(%dma_wait3A_178 : memref<8x208x32xf32, #tpu.memory_space<hbm>>)
    return
  }
}

</mosaic_0001>

<sc_bundles>
// kernel: kernel.3.cloned.1.call-start
scs
__scs_entry_jumppad:
0x0: {  	(pc) =	sbr.rel $0x88, $3  }
0x1: {  	(tag) =	ssettag $0x0;
	lr =	simm.s32 $0x1  }
0x2: {  	[smem:$0x3F9F] =	sst lr;
	_ =	strace $0xD0000000  }
0x3: {  	_ = 	snop  }
0x4: {  	_ = 	snop  }
0x5: {  	_ = 	snop  }
0x6: {  	_ = 	snop  }
0x7: {  	_ = 	snop  }
__scs_overlays_trampoline_lowered:
0x8: {  	[smem:$0x3FAE] =	sst s0  }
0x9: {  	[smem:$0x3FAF] =	sst s1  }
0xa: {  	[smem:$0x3FB0] =	sst s2  }
0xb: {  	[smem:$0x3FB1] =	sst s3  }
0xc: {  	[smem:$0x3FB2] =	sst s4  }
0xd: {  	[smem:$0x3FB3] =	sst s5  }
0xe: {  	[smem:$0x3FB4] =	sst s6  }
0xf: {  	[smem:$0x3FB5] =	sst s7  }
0x10: {  	[smem:$0x3FB6] =	sst s8  }
0x11: {  	[smem:$0x3FB7] =	sst s9;
	s0 =	simm.s32 @!p0 $0x0  }
0x12: {  	s1 =	sld [smem:$0x3F9D];
	s0 =	simm.s32 @p0 $0x1  }
0x13: {  	[smem:$0x3FB8] =	sst s0;
	s0 =	simm.s32 @!p1 $0x0  }
0x14: {  	s2 =	sld [smem:$0x3F9C];
	s0 =	simm.s32 @p1 $0x1  }
0x15: {  	[smem:$0x3FB9] =	sst s0;
	s0 =	simm.s32 @!p2 $0x0  }
0x16: {  	s3 =	sld [smem:$0x3FDB];
	s0 =	simm.s32 @p2 $0x1  }
0x17: {  	s4 =	simm.s32 $0x1BF5;
	[smem:$0x3FBB] =	sst s0  }
0x18: {  	s0 =	sld [smem:$0x3F9E];
	_ =	swait.ge [sflag:s4], $0x0  }
0x19: {  	s7 =	sld [smem:$0x3F9F]  }
0x1a: {  	s8 =	sadd.s32 $0xFFFFE003, lr  }
0x1b: {  	s9 =	sadd.s32 $0xFFFFFEF7, lr;
	s5 =	simm.s32 $0xFFFFFFFF;
	p2 =	slt.u32 s8, $0xFFFFF086  }
0x1c: {  	p1 =	slt.u32 s9, $0xF7A;
	s5 =	simm.s32 @!p2 $0x0  }
0x1d: {  	s5 =	simm.s32 @p1 $0x1;
	p0 =	seq.s32 s7, s2  }
0x1e: {  	s7 =	smul.u32 @!p0 $0xF7A, s2;
	p2 =	seq.s32 @!p0 s5, $0x0  }
0x1f: {  	s9 =	smul.u32 $0xF7A, s1;
	s8 =	simm.s32 @!p0 $0x1BF5;
	p2 =	por !p2, p0  }
0x20: {  	[sflag:s8] =	ssyncset.s32 @!p0 $0xFFFFF086;
	s6 =	sadd.s32 @!p0 s3, s7;
	s7 =	simm.s32 @!p0 $0x108  }
0x21: {  	s3 =	sadd.s32 s3, s9;
	s6 =	sadd.s32 @!p0 $0x88, s6;
	s7 =	simm.s32 @p2 $0x1082  }
0x22: {  	[simem:s7], [sflag:s8] =	dma.local @!p0 [hbm:s6], $0xF7A  }
0x23: {  	s9 =	sor.u32 $0xD0000000, s2;
	s6 =	simm.s32 $0x108;
	_ =	swait.ge @!p0 [sflag:s8], $0x0  }
0x24: {  	s3 =	sadd.s32 $0x88, s3;
	s6 =	simm.s32 @!p1 $0x1082;
	[sflag:s4] =	ssyncset.s32 $0xFFFFF086  }
0x25: {  	[simem:s6], [sflag:s4] =	dma.local [hbm:s3], $0xF7A  }
0x26: {  	[smem:$0x3F9F] =	sst s1;
	(tag) =	ssettag s2;
	_ =	strace s9  }
0x27: {  	s1 =	sld [smem:$0x3FAF]  }
0x28: {  	s2 =	sld [smem:$0x3FB0]  }
0x29: {  	s4 =	sld [smem:$0x3FB2]  }
0x2a: {  	p0 =	seq.s32 s5, $0x0;
	s5 =	sld [smem:$0x3FB3]  }
0x2b: {  	s6 =	sld [smem:$0x3FB4]  }
0x2c: {  	s7 =	sld [smem:$0x3FB5]  }
0x2d: {  	s3 =	simm.s32 $0x108;
	s8 =	sld [smem:$0x3FB6]  }
0x2e: {  	s3 =	simm.s32 @!p0 $0x1082;
	s9 =	sld [smem:$0x3FB7]  }
0x2f: {  	lr =	sadd.s32 s0, s3;
	s0 =	sld [smem:$0x3FAE]  }
0x30: {  	s3 =	sld [smem:$0x3FB1]  }
0x31: {  	[smem:$0x3FBA] =	sst s10  }
0x32: {  	s10 =	sld [smem:$0x3FB8];
	_ =	sdelay $0x3  }
0x33: {  	p0 =	seq.s32 s10, $0x1;
	s10 =	sld [smem:$0x3FBA];
	_ =	sdelay $0x3  }
0x34: {  	[smem:$0x3FBA] =	sst s10  }
0x35: {  	s10 =	sld [smem:$0x3FB9];
	_ =	sdelay $0x3  }
0x36: {  	p1 =	seq.s32 s10, $0x1;
	s10 =	sld [smem:$0x3FBA];
	_ =	sdelay $0x3  }
0x37: {  	[smem:$0x3FBA] =	sst s10  }
0x38: {  	s10 =	sld [smem:$0x3FBB]  }
0x39: {  	_ = 	snop;
	(pc) =	sbr.ind lr, $3  }
0x3a: {  	_ = 	snop  }
0x3b: {  	_ = 	snop  }
0x3c: {  	p2 =	seq.s32 s10, $0x1;
	s10 =	sld [smem:$0x3FBA]  }
0x3d: {  	_ =	shalt  }
0x3e: {  	_ =	shalt  }
0x3f: {  	_ =	shalt  }
0x40: {  	_ =	shalt  }
0x41: {  	_ =	shalt  }
0x42: {  	_ =	shalt  }
0x43: {  	_ =	shalt  }
0x44: {  	_ =	shalt  }
0x45: {  	_ =	shalt  }
0x46: {  	_ =	shalt  }
0x47: {  	_ =	shalt  }
0x48: {  	_ =	shalt  }
0x49: {  	_ =	shalt  }
0x4a: {  	_ =	shalt  }
0x4b: {  	_ =	shalt  }
0x4c: {  	_ =	shalt  }
0x4d: {  	_ =	shalt  }
0x4e: {  	_ =	shalt  }
0x4f: {  	_ =	shalt  }
0x50: {  	_ =	shalt  }
0x51: {  	_ =	shalt  }
0x52: {  	_ =	shalt  }
0x53: {  	_ =	shalt  }
0x54: {  	_ =	shalt  }
0x55: {  	_ =	shalt  }
0x56: {  	_ =	shalt  }
0x57: {  	_ =	shalt  }
0x58: {  	_ =	shalt  }
0x59: {  	_ =	shalt  }
0x5a: {  	_ =	shalt  }
0x5b: {  	_ =	shalt  }
0x5c: {  	_ =	shalt  }
0x5d: {  	_ =	shalt  }
0x5e: {  	_ =	shalt  }
0x5f: {  	_ =	shalt  }
0x60: {  	_ =	shalt  }
0x61: {  	_ =	shalt  }
0x62: {  	_ =	shalt  }
0x63: {  	_ =	shalt  }
0x64: {  	_ =	shalt  }
0x65: {  	_ =	shalt  }
0x66: {  	_ =	shalt  }
0x67: {  	_ =	shalt  }
0x68: {  	_ =	shalt  }
0x69: {  	_ =	shalt  }
0x6a: {  	_ =	shalt  }
0x6b: {  	_ =	shalt  }
0x6c: {  	_ =	shalt  }
0x6d: {  	_ =	shalt  }
0x6e: {  	_ =	shalt  }
0x6f: {  	_ =	shalt  }
0x70: {  	_ =	shalt  }
0x71: {  	_ =	shalt  }
0x72: {  	_ =	shalt  }
0x73: {  	_ =	shalt  }
0x74: {  	_ =	shalt  }
0x75: {  	_ =	shalt  }
0x76: {  	_ =	shalt  }
0x77: {  	_ =	shalt  }
0x78: {  	_ =	shalt  }
0x79: {  	_ =	shalt  }
0x7a: {  	_ =	shalt  }
0x7b: {  	_ =	shalt  }
0x7c: {  	_ =	shalt  }
0x7d: {  	_ =	shalt  }
0x7e: {  	_ =	shalt  }
0x7f: {  	_ =	shalt  }
0x80: {  	_ =	shalt  }
0x81: {  	_ =	shalt  }
0x82: {  	_ =	shalt  }
0x83: {  	_ =	shalt  }
0x84: {  	_ =	shalt  }
0x85: {  	_ =	shalt  }
0x86: {  	_ =	shalt  }
0x87: {  	_ =	shalt  }
.Lfunc_end0:
.L_simem_size_0:
called_computation.2_lowered:
.L_overlay_start_0:
0x88: {  	s2 =	sld [smem:$0x3FD9]  }
0x89: {  	s3 =	sld [smem:$0x3FFE];
	_ =	sdelay $0x1  }
0x8a: {  	s1 =	srdreg.scid  }
0x8b: {  	s0 =	sand.u32 $0x1, s1  }
0x8c: {  	s17 =	sshll.u32 s0, $0xA;
	s2 =	sadd.s32 s3, s2  }
0x8d: {  	s2 =	sadd.s32 s2, s17  }
0x8e: {  	[smem:$0x3FC6] =	sst s2  }
0x8f: {  	_ = 	snop  }
0x90: {  	s2 =	sld [smem:$0x3FD0];
	(tm) =	ssettm $0x1  }
0x91: {  	s18 =	sld [smem:$0x3FFB];
	_ =	sdelay $0x3  }
0x92: {  	_ =	strace s18  }
0x93: {  	s3 =	sld [smem:$0x3FFC];
	_ =	sdelay $0x3  }
0x94: {  	_ =	strace s3  }
0x95: {  	s3 =	sld [smem:$0x3FFD];
	_ =	sdelay $0x3  }
0x96: {  	_ =	strace s3  }
0x97: {  	_ =	strace $0x8FFFFFFF  }
0x98: {  	s19 =	sld [smem:$0x3FDB];
	_ =	sdelay $0x1  }
0x99: {  	s4 =	simm.s32 $_scs_section_size  }
0x9a: {  	s5 =	simm.s32 $_size__tile_overlayer_lowered;
	s6 =	simm.s32 $_tile_overlayer_lowered  }
0x9b: {  	s22 =	simm.s32 $0x1BFF;
	s21 =	sshll.u32 s6, $0x1;
	s3 =	sadd.s32 s4, s19  }
0x9c: {  	s7 =	simm.s32 $0x0;
	s20 =	sshll.u32 s5, $0x1;
	s5 =	sadd.s32 s21, s3  }
0x9d: {  	[timem:s7], [sflag:s22] =	dma.local [hbm:s5], s20  }
0x9e: {  	_ =	swait.ge [sflag:s22], s20  }
0x9f: {  	s4 =	ssub.s32 $0x0, s20;
	[sflag:s22] =	ssyncset.done $0x0  }
0xa0: {  	[sflag:s22] =	ssyncadd.s32 s4;
	_ =	sdelay $0x1  }
0xa1: {  	s23 =	simm.s32 $0x1B8B  }
0xa2: {  	_ =	swait.ge [sflag:s23], $0x1  }
0xa3: {  	[sflag:s23] =	ssyncset.done $0x0  }
0xa4: {  	s25 =	simm.s32 $0x1B8E;
	s24 =	sld [smem:$0x3FFE];
	[sflag:s23] =	ssyncadd.s32 $0xFFFFFFFF  }
0xa5: {  	s26 =	simm.s32 $execute0_lowered;
	[smem:$0x3FD2] =	sst s25  }
0xa6: {  	s5 =	sshll.u32 s26, $0x1;
	_ =	strace $0x80000049;
	[dreg:$0x1] =	wrdreg $0xFFFFFFFF  }
0xa7: {  	s28 =	simm.s32 $_size_execute0_lowered;
	s3 =	sadd.s32 s3, s5;
	[dreg:$0x0] =	wrdreg $0x0  }
0xa8: {  	s5 =	sshll.u32 s28, $0x1;
	[dreg:$0x2] =	wrdreg s3  }
0xa9: {  	[dreg:$0x3] =	wrdreg s5  }
0xaa: {  	[dreg:$0x4] =	wrdreg $0xC0  }
0xab: {  	_ =	task [dreg:s7], $0x5FFFF  }
0xac: {  	[dreg:$0x1] =	wrdreg $0xFFFFFFFF  }
0xad: {  	[dreg:$0x0] =	wrdreg $0x60  }
0xae: {  	[dreg:$0x2] =	wrdreg s2  }
0xaf: {  	[dreg:$0x3] =	wrdreg s24  }
0xb0: {  	[dreg:$0x4] =	wrdreg $0x9  }
0xb1: {  	_ =	task.clear_ibuf [dreg:s7], $0x5FFFF;
	_ =	strace $0x90000049  }
0xb2: {  	s29 =	simm.s32 $0x9;
	_ =	strace $0x8000004B  }
0xb3: {  	_ =	swait.ge [sflag:s29], $0x1  }
0xb4: {  	[sflag:s29] =	ssyncadd.s32 $0xFFFFFFFF  }
0xb5: {  	_ =	strace $0x9000004B  }
0xb6: {  	_ =	sfence  }
0xb7: {  	s30 =	sld [smem:$0x0];
	_ =	sdelay $0x2  }
0xb8: {  	s31 =	sshll.u32 s1, $0xD;
	s1 =	sshrl.u32 s1, $0x2  }
0xb9: {  	s3 =	sand.u32 $0x4000, s31;
	s1 =	sadd.s32 s1, s30  }
0xba: {  	s0 =	sor.u32 s3, s0;
	s1 =	sshll.u32 s1, $0x11  }
0xbb: {  	s0 =	sor.u32 s1, s0  }
0xbc: {  	s0 =	sadd.s32 $0x8F2B, s0  }
0xbd: {  	[sflag:s0] =	ssyncadd.remote.s32 $0x1  }
0xbe: {  	_ =	sfence.sel $0xFFFF  }
0xbf: {  	[dreg:$0x0] =	wrdreg $0xFFFFFFFF;
	(pc) =	sbr.abs _section_cstart, $3  }
0xc0: {  	[dreg:$0x1] =	wrdreg $0xFFFFFFFF  }
0xc1: {  	_ =	task.clear_ibuf [dreg:s7], $0x2FFFF;
	_ =	strace $0x9FFFFFFF  }
0xc2: {  	(tm) =	ssettm $0x7FFFFFFF  }
0xc3: {  	_ =	shalt  }
tec
execute0_lowered:
.L_overlay_start_1:
0x0: {  	(tag) =	ssettag $0x1  }
0x1: {  	s1 =	rddreg [dreg:$0x0]  }
0x2: {  	s0 =	rddreg [dreg:$0x1];
	s2 =	simm.s32 $0x0  }
0x3: {  	[smem:$0x7FF] =	sst s2;
	s3 =	sadd.s32 $0xF43200, s0  }
0x4: {  	s5 =	simm.s32 $0xCA0;
	_ =	strace $0x8000004A;
	[dreg:$0x1b] =	wrdreg s3  }
0x5: {  	s23 =	simm.s32 $0x26A0;
	[dreg:$0x3] =	wrdreg s5  }
0x6: {  	s24 =	simm.s32 $0x190;
	[dreg:$0x4] =	wrdreg s23  }
0x7: {  	s25 =	simm.s32 $0x40A0;
	[dreg:$0x5] =	wrdreg s24  }
0x8: {  	s26 =	simm.s32 $0x258;
	[dreg:$0x6] =	wrdreg s25  }
0x9: {  	s29 =	simm.s32 $0x5AA0;
	[dreg:$0x7] =	wrdreg s26  }
0xa: {  	s30 =	simm.s32 $0x320;
	[dreg:$0x8] =	wrdreg s29  }
0xb: {  	s31 =	simm.s32 $0x74A0;
	[dreg:$0x9] =	wrdreg s30  }
0xc: {  	s22 =	srdreg.scid;
	s12 =	simm.s32 $0x8EA0;
	[dreg:$0xa] =	wrdreg s31  }
0xd: {  	s11 =	stileid.u32;
	s13 =	simm.s32 $0x4B0;
	[dreg:$0xc] =	wrdreg s12  }
0xe: {  	s14 =	simm.s32 $0xA8A0;
	s16 =	simm.s32 $0x578;
	[dreg:$0xd] =	wrdreg s13  }
0xf: {  	s18 =	simm.s32 $0xC2A0;
	s19 =	simm.s32 $0xDCA0;
	[dreg:$0xe] =	wrdreg s14  }
0x10: {  	s20 =	simm.s32 $0x708;
	s21 =	simm.s32 $0xF6A0;
	[dreg:$0xf] =	wrdreg s16  }
0x11: {  	s28 =	simm.s32 $0x0;
	s4 =	sadd.s32 $0xF43400, s0;
	[dreg:$0x10] =	wrdreg s18  }
0x12: {  	s0 =	sadd.s32 $0xE00, s0;
	s6 =	sshll.u32 s11, $0x8;
	[dreg:$0x11] =	wrdreg s19  }
0x13: {  	s17 =	smul.u32 $0x34000, s11;
	s3 =	sand.u32 $0x1, s22;
	[dreg:$0x12] =	wrdreg s20  }
0x14: {  	s22 =	smul.u32 $0x1900, s11;
	[dreg:$0x13] =	wrdreg s21;
	s23 =	simm.s32 $0x7D0  }
0x15: {  	s24 =	simm.s32 $0x110A0;
	s25 =	simm.s32 $0x898;
	s26 =	simm.s32 $0x12AA0  }
0x16: {  	s29 =	simm.s32 $0x960;
	s30 =	simm.s32 $0x144A0;
	[dreg:$0x14] =	wrdreg s23  }
0x17: {  	s13 =	simm.s32 $0x6;
	s31 =	simm.s32 $0xA28;
	[dreg:$0x15] =	wrdreg s24  }
0x18: {  	s14 =	simm.s32 $0xC8;
	s16 =	simm.s32 $0x15EA0;
	[dreg:$0x16] =	wrdreg s25  }
0x19: {  	s18 =	simm.s32 $0x178A0;
	s19 =	simm.s32 $0xBB8;
	[dreg:$0x17] =	wrdreg s26  }
0x1a: {  	s20 =	simm.s32 $0x192A0;
	s9 =	sshll.u32 s3, $0x7;
	[dreg:$0x18] =	wrdreg s29  }
0x1b: {  	s21 =	simm.s32 $0x2;
	[dreg:$0x19] =	wrdreg s30;
	s6 =	sor.u32 s9, s6  }
0x1c: {  	s7 =	ssub.s32 $0x2, s3;
	[dreg:$0x1a] =	wrdreg s31;
	s9 =	smul.u32 $0x1A00, s6  }
0x1d: {  	s23 =	simm.s32 $0x3;
	s8 =	sshrl.u32 s7, $0x1;
	s5 =	sadd.s32 s22, s1  }
0x1e: {  	s8 =	ssub.s32 s7, s8;
	s7 =	simm.s32 $0x3E8;
	s10 =	sshrl.u32 s9, $0x3  }
0x1f: {  	[dreg:$0xb] =	wrdreg s7;
	s7 =	sadd.s32 s0, s10;
	s10 =	smul.u32 $0x1A000, s3  }
0x20: {  	s22 =	simm.s32 $0xC80;
	s15 =	smax.u32 s8, $0x1;
	s3 =	smul.u32 $0xC80, s3  }
0x21: {  	[dreg:$0x1d] =	wrdreg s15;
	s15 =	simm.s32 $0x640;
	s7 =	sadd.s32 $0x18600, s7  }
0x22: {  	s0 =	sadd.s32 s17, s0;
	[dreg:$0x1c] =	wrdreg s7;
	s3 =	sadd.s32 s3, s5  }
0x23: {  	s17 =	simm.s32 $0xAF0;
	s9 =	sadd.s32 s10, s0;
	[dreg:$0x1e] =	wrdreg s3  }
.LBB2_1:
0x24: {  	s0 =	rddreg [dreg:$0x1b];
	s3 =	simm.s32 $0x1AC80;
	s26 =	simm.s32 $0x1  }
0x25: {  	[tilespmem:s3], [sflag:$0x1] =	stream.linear.gather [hbm4b:s0+s2], $0x20, $0x38;
	[tilespmem:$0x1ACA0] =	vst v63  }
0x26: {  	_ =	swait.ge [sflag:s26], $0x20  }
0x27: {  	[sflag:s26] =	ssyncset.done $0x0  }
0x28: {  	p0 =	por $0x1, $0x1;
	[sflag:s26] =	ssyncadd.s32 $0xFFFFFFE0  }
0x29: {  	s0 =	simm.s32 @!p0 $0x4;
	v0 =	vld [tilespmem:$0x1AC80]  }
0x2a: {  	v1 =	vld [tilespmem:$0x1AC90];
	_ =	swait.ge @!p0 [sflag:s0], $0xD000  }
0x2b: {  	[sflag:s0] =	ssyncset.done @!p0 $0x0  }
0x2c: {  	s7 =	rddreg [dreg:$0x1e];
	[sflag:s0] =	ssyncadd.s32 @!p0 $0xFFFF3000  }
0x2d: {  	[tilespmem:s2], [sflag:$0x6] =	stream.linear.gather [hbm4b:s7+s2], $0x640, $0x38;
	[tilespmem:$0x1ACA0] =	vst v63  }
0x2e: {  	_ =	swait.ge [sflag:s13], $0x640  }
0x2f: {  	[sflag:s13] =	ssyncset.done $0x0  }
0x30: {  	[sflag:s13] =	ssyncadd.s32 $0xFFFFF9C0  }
0x31: {  	[tilespmem:$0xC280] =	vst v0  }
0x32: {  	[tilespmem:$0xA890] =	vst v1  }
0x33: {  	[tilespmem:$0xA880] =	vst v0  }
0x34: {  	[tilespmem:$0x8E90] =	vst v1  }
0x35: {  	[tilespmem:$0x8E80] =	vst v0  }
0x36: {  	[tilespmem:$0x7490] =	vst v1  }
0x37: {  	[tilespmem:$0x7480] =	vst v0  }
0x38: {  	[tilespmem:$0x5A90] =	vst v1  }
0x39: {  	[tilespmem:$0x5A80] =	vst v0  }
0x3a: {  	s3 =	rddreg [dreg:$0x3];
	[tilespmem:$0x4090] =	vst v1  }
0x3b: {  	s8 =	rddreg [dreg:$0xe];
	[tilespmem:$0x4080] =	vst v0  }
0x3c: {  	s5 =	rddreg [dreg:$0xc];
	[tilespmem:$0x2690] =	vst v1  }
0x3d: {  	s11 =	rddreg [dreg:$0xa];
	[tilespmem:$0x2680] =	vst v0  }
0x3e: {  	s24 =	rddreg [dreg:$0x8];
	[tilespmem:$0xC80] =	vst v0  }
0x3f: {  	s29 =	rddreg [dreg:$0x6];
	[tilespmem:$0xC90] =	vst v1  }
0x40: {  	s30 =	rddreg [dreg:$0x4];
	[tilespmem:$0xC290] =	vst v1  }
0x41: {  	[tilespmem:s3], [sflag:$0x2] =	stream.indirect.gather [hbm4b:s4+s14], $0x20, s2, s14, $0xb8;
	[tilespmem:$0x1ACA0] =	vst v63  }
0x42: {  	s31 =	rddreg [dreg:$0x5]  }
0x43: {  	[tilespmem:s30], [sflag:$0x2] =	stream.indirect.gather [hbm4b:s4+s14], $0x20, s14, s14, $0xb8;
	[tilespmem:$0x1ACA0] =	vst v63  }
0x44: {  	s10 =	rddreg [dreg:$0x7]  }
0x45: {  	[tilespmem:s29], [sflag:$0x2] =	stream.indirect.gather [hbm4b:s4+s14], $0x20, s31, s14, $0xb8;
	[tilespmem:$0x1ACA0] =	vst v63  }
0x46: {  	s12 =	rddreg [dreg:$0xd]  }
0x47: {  	[tilespmem:s24], [sflag:$0x2] =	stream.indirect.gather [hbm4b:s4+s14], $0x20, s10, s14, $0xb8;
	[tilespmem:$0x1ACA0] =	vst v63  }
0x48: {  	s30 =	rddreg [dreg:$0x9]  }
0x49: {  	[tilespmem:s11], [sflag:$0x2] =	stream.indirect.gather [hbm4b:s4+s14], $0x20, s30, s14, $0xb8;
	[tilespmem:$0x1ACA0] =	vst v63  }
0x4a: {  	s29 =	rddreg [dreg:$0xb]  }
0x4b: {  	[tilespmem:s5], [sflag:$0x2] =	stream.indirect.gather [hbm4b:s4+s14], $0x20, s29, s14, $0xb8;
	[tilespmem:$0x1ACA0] =	vst v63  }
0x4c: {  	s25 =	rddreg [dreg:$0xf]  }
0x4d: {  	[tilespmem:s8], [sflag:$0x2] =	stream.indirect.gather [hbm4b:s4+s14], $0x20, s12, s14, $0xb8;
	[tilespmem:$0x1ACA0] =	vst v63  }
0x4e: {  	s0 =	simm.s32 @!p0 $0x3;
	s24 =	rddreg [dreg:$0x10]  }
0x4f: {  	[tilespmem:s24], [sflag:$0x2] =	stream.indirect.gather [hbm4b:s4+s14], $0x20, s25, s14, $0xb8;
	[tilespmem:$0x1ACA0] =	vst v63  }
0x50: {  	_ =	swait.ge @!p0 [sflag:s0], $0x1900  }
0x51: {  	[sflag:s0] =	ssyncset.done @!p0 $0x0  }
0x52: {  	[sflag:s0] =	ssyncadd.s32 @!p0 $0xFFFFE700  }
0x53: {  	_ =	swait.ge @!p0 [sflag:s0], $0x1900  }
0x54: {  	[sflag:s0] =	ssyncset.done @!p0 $0x0  }
0x55: {  	[sflag:s0] =	ssyncadd.s32 @!p0 $0xFFFFE700  }
0x56: {  	_ =	swait.ge @!p0 [sflag:s0], $0x1900  }
0x57: {  	[sflag:s0] =	ssyncset.done @!p0 $0x0  }
0x58: {  	[sflag:s0] =	ssyncadd.s32 @!p0 $0xFFFFE700  }
0x59: {  	_ =	swait.ge @!p0 [sflag:s0], $0x1900  }
0x5a: {  	[sflag:s0] =	ssyncset.done @!p0 $0x0  }
0x5b: {  	[sflag:s0] =	ssyncadd.s32 @!p0 $0xFFFFE700  }
0x5c: {  	_ =	swait.ge @!p0 [sflag:s0], $0x1900  }
0x5d: {  	[sflag:s0] =	ssyncset.done @!p0 $0x0  }
0x5e: {  	[sflag:s0] =	ssyncadd.s32 @!p0 $0xFFFFE700  }
0x5f: {  	_ =	swait.ge @!p0 [sflag:s0], $0x1900  }
0x60: {  	[sflag:s0] =	ssyncset.done @!p0 $0x0  }
0x61: {  	[sflag:s0] =	ssyncadd.s32 @!p0 $0xFFFFE700  }
0x62: {  	_ =	swait.ge @!p0 [sflag:s0], $0x1900  }
0x63: {  	[sflag:s0] =	ssyncset.done @!p0 $0x0  }
0x64: {  	s3 =	sadd.s32 @!p0 $0x0, s9;
	s5 =	simm.s32 $0x8;
	[sflag:s0] =	ssyncadd.s32 @!p0 $0xFFFFE700  }
0x65: {  	s3 =	sadd.s32 @!p0 $0xFFFFE600, s3;
	s5 =	simm.s32 @p0 $0x8;
	_ =	swait.ge @!p0 [sflag:s0], $0x1900  }
0x66: {  	s11 =	simm.s32 @!p0 $0x5;
	s5 =	sadd.s32 s6, s5;
	[sflag:s0] =	ssyncset.done @!p0 $0x0  }
0x67: {  	s24 =	simm.s32 @!p0 $0xDC80;
	[sflag:s0] =	ssyncadd.s32 @!p0 $0xFFFFE700;
	s0 =	simm.s32 @!p0 $0x0  }
0x68: {  	[hbm4b:s3+s0] =	stream.linear.scatter @!p0 [tilespmem:s24], [sflag:$0x5], $0xD000, $0x38;
	[tilespmem:$0x1ACA0] =	vst v63  }
0x69: {  	s26 =	smul.u32 $0x19, s5;
	_ =	swait.ge @!p0 [sflag:s11], $0xD000  }
0x6a: {  	[sflag:s11] =	ssyncset.done @!p0 $0x0  }
0x6b: {  	s0 =	sadd.s32 s1, s26;
	[sflag:s11] =	ssyncadd.s32 @!p0 $0xFFFF3000  }
0x6c: {  	[tilespmem:s15], [sflag:$0x6] =	stream.linear.gather [hbm4b:s0+s2], $0x640, $0x38;
	[tilespmem:$0x1ACA0] =	vst v63  }
0x6d: {  	_ =	swait.ge [sflag:s13], $0x640  }
0x6e: {  	[sflag:s13] =	ssyncset.done $0x0  }
0x6f: {  	[sflag:s13] =	ssyncadd.s32 $0xFFFFF9C0  }
0x70: {  	[tilespmem:$0x19280] =	vst v0  }
0x71: {  	[tilespmem:$0x14480] =	vst v0  }
0x72: {  	[tilespmem:$0x12A80] =	vst v0  }
0x73: {  	[tilespmem:$0x12A90] =	vst v1  }
0x74: {  	[tilespmem:$0x11090] =	vst v1  }
0x75: {  	[tilespmem:$0xDC80] =	vst v0  }
0x76: {  	[tilespmem:$0x14490] =	vst v1  }
0x77: {  	[tilespmem:$0x19290] =	vst v1  }
0x78: {  	[tilespmem:$0x11080] =	vst v0  }
0x79: {  	[tilespmem:$0x17880] =	vst v0  }
0x7a: {  	s3 =	rddreg [dreg:$0x11];
	[tilespmem:$0x15E80] =	vst v0  }
0x7b: {  	s5 =	rddreg [dreg:$0x17];
	[tilespmem:$0x15E90] =	vst v1  }
0x7c: {  	s8 =	rddreg [dreg:$0x15];
	[tilespmem:$0x17890] =	vst v1  }
0x7d: {  	s10 =	rddreg [dreg:$0x13];
	[tilespmem:$0xF690] =	vst v1  }
0x7e: {  	s12 =	rddreg [dreg:$0x12];
	[tilespmem:$0xDC90] =	vst v1  }
0x7f: {  	s25 =	rddreg [dreg:$0x14];
	[tilespmem:$0xF680] =	vst v0  }
0x80: {  	[tilespmem:s3], [sflag:$0x3] =	stream.indirect.gather [hbm4b:s4+s14], $0x20, s15, s14, $0xb8;
	[tilespmem:$0x1ACA0] =	vst v63  }
0x81: {  	s26 =	rddreg [dreg:$0x16]  }
0x82: {  	[tilespmem:s10], [sflag:$0x3] =	stream.indirect.gather [hbm4b:s4+s14], $0x20, s12, s14, $0xb8;
	[tilespmem:$0x1ACA0] =	vst v63  }
0x83: {  	s24 =	rddreg [dreg:$0x18]  }
0x84: {  	[tilespmem:s8], [sflag:$0x3] =	stream.indirect.gather [hbm4b:s4+s14], $0x20, s25, s14, $0xb8;
	[tilespmem:$0x1ACA0] =	vst v63  }
0x85: {  	s31 =	smov.u32 s7;
	s30 =	simm.s32 $0x3400;
	s3 =	rddreg [dreg:$0x19]  }
0x86: {  	[tilespmem:s5], [sflag:$0x3] =	stream.indirect.gather [hbm4b:s4+s14], $0x20, s26, s14, $0xb8;
	[tilespmem:$0x1ACA0] =	vst v63  }
0x87: {  	s29 =	simm.s32 $0x0;
	s0 =	simm.s32 $0x8;
	s5 =	rddreg [dreg:$0x1a]  }
.LBB2_2:
0x88: {  	[tilespmem:s3], [sflag:$0x3] =	stream.indirect.gather [hbm4b:s4+s14], $0x20, s24, s14, $0xb8;
	[tilespmem:$0x1ACA0] =	vst v63  }
0x89: {  	_ = 	snop  }
0x8a: {  	[tilespmem:s16], [sflag:$0x3] =	stream.indirect.gather [hbm4b:s4+s14], $0x20, s5, s14, $0xb8;
	[tilespmem:$0x1ACA0] =	vst v63  }
0x8b: {  	_ = 	snop  }
0x8c: {  	[tilespmem:s18], [sflag:$0x3] =	stream.indirect.gather [hbm4b:s4+s14], $0x20, s17, s14, $0xb8;
	[tilespmem:$0x1ACA0] =	vst v63  }
0x8d: {  	_ = 	snop  }
0x8e: {  	[tilespmem:s20], [sflag:$0x3] =	stream.indirect.gather [hbm4b:s4+s14], $0x20, s19, s14, $0xb8;
	[tilespmem:$0x1ACA0] =	vst v63  }
0x8f: {  	_ =	swait.ge [sflag:s21], $0x1900  }
0x90: {  	[sflag:s21] =	ssyncset.done $0x0  }
0x91: {  	[sflag:s21] =	ssyncadd.s32 $0xFFFFE700  }
0x92: {  	_ =	swait.ge [sflag:s21], $0x1900  }
0x93: {  	[sflag:s21] =	ssyncset.done $0x0  }
0x94: {  	[sflag:s21] =	ssyncadd.s32 $0xFFFFE700  }
0x95: {  	_ =	swait.ge [sflag:s21], $0x1900  }
0x96: {  	[sflag:s21] =	ssyncset.done $0x0  }
0x97: {  	[sflag:s21] =	ssyncadd.s32 $0xFFFFE700  }
0x98: {  	_ =	swait.ge [sflag:s21], $0x1900  }
0x99: {  	[sflag:s21] =	ssyncset.done $0x0  }
0x9a: {  	[sflag:s21] =	ssyncadd.s32 $0xFFFFE700  }
0x9b: {  	_ =	swait.ge [sflag:s21], $0x1900  }
0x9c: {  	[sflag:s21] =	ssyncset.done $0x0  }
0x9d: {  	[sflag:s21] =	ssyncadd.s32 $0xFFFFE700  }
0x9e: {  	_ =	swait.ge [sflag:s21], $0x1900  }
0x9f: {  	[sflag:s21] =	ssyncset.done $0x0  }
0xa0: {  	[sflag:s21] =	ssyncadd.s32 $0xFFFFE700  }
0xa1: {  	_ =	swait.ge [sflag:s21], $0x1900  }
0xa2: {  	[sflag:s21] =	ssyncset.done $0x0  }
0xa3: {  	[sflag:s21] =	ssyncadd.s32 $0xFFFFE700  }
0xa4: {  	s11 =	smov.u32 s30;
	_ =	swait.ge [sflag:s21], $0x1900  }
0xa5: {  	p1 =	seq.s32 s11, $0x0;
	[sflag:s21] =	ssyncset.done $0x0  }
0xa6: {  	s8 =	sadd.s32 s29, s9;
	s24 =	simm.s32 @!p1 $0x4;
	[sflag:s21] =	ssyncadd.s32 $0xFFFFE700  }
0xa7: {  	[hbm4b:s8+s2] =	stream.linear.scatter [tilespmem:s22], [sflag:$0x4], $0xD000, $0x38;
	[tilespmem:$0x1ACA0] =	vst v63  }
0xa8: {  	_ =	swait.ge @!p1 [sflag:s24], $0xD000  }
0xa9: {  	[sflag:s24] =	ssyncset.done @!p1 $0x0  }
0xaa: {  	s31 =	sadd.s32 $0x190, s31;
	[sflag:s24] =	ssyncadd.s32 @!p1 $0xFFFF3000  }
0xab: {  	[tilespmem:s2], [sflag:$0x6] =	stream.linear.gather [hbm4b:s31+s2], $0x640, $0x38;
	[tilespmem:$0x1ACA0] =	vst v63  }
0xac: {  	_ =	swait.ge [sflag:s13], $0x640  }
0xad: {  	[sflag:s13] =	ssyncset.done $0x0  }
0xae: {  	[sflag:s13] =	ssyncadd.s32 $0xFFFFF9C0  }
0xaf: {  	[tilespmem:$0xC280] =	vst v0  }
0xb0: {  	[tilespmem:$0xA890] =	vst v1  }
0xb1: {  	[tilespmem:$0xA880] =	vst v0  }
0xb2: {  	[tilespmem:$0x8E90] =	vst v1  }
0xb3: {  	[tilespmem:$0x8E80] =	vst v0  }
0xb4: {  	[tilespmem:$0x7490] =	vst v1  }
0xb5: {  	[tilespmem:$0x7480] =	vst v0  }
0xb6: {  	[tilespmem:$0x5A90] =	vst v1  }
0xb7: {  	[tilespmem:$0x5A80] =	vst v0  }
0xb8: {  	s5 =	rddreg [dreg:$0x3];
	[tilespmem:$0x4090] =	vst v1  }
0xb9: {  	s24 =	rddreg [dreg:$0xe];
	[tilespmem:$0x4080] =	vst v0  }
0xba: {  	s7 =	rddreg [dreg:$0xc];
	[tilespmem:$0x2690] =	vst v1  }
0xbb: {  	s0 =	sadd.s32 $0x10, s0;
	s8 =	rddreg [dreg:$0xa];
	[tilespmem:$0x2680] =	vst v0  }
0xbc: {  	s29 =	smov.u32 s0;
	s12 =	rddreg [dreg:$0x8];
	[tilespmem:$0xC80] =	vst v0  }
0xbd: {  	s29 =	simm.s32 @p1 $0x8;
	s25 =	rddreg [dreg:$0x6];
	[tilespmem:$0xC90] =	vst v1  }
0xbe: {  	s3 =	sadd.s32 @!p1 s11, s9;
	s10 =	sadd.s32 s6, s29;
	s26 =	rddreg [dreg:$0x4];
	[tilespmem:$0xC290] =	vst v1  }
0xbf: {  	[tilespmem:s5], [sflag:$0x2] =	stream.indirect.gather [hbm4b:s4+s14], $0x20, s2, s14, $0xb8;
	[tilespmem:$0x1ACA0] =	vst v63  }
0xc0: {  	s29 =	smov.u32 s11;
	s11 =	smul.u32 $0x19, s10;
	s10 =	rddreg [dreg:$0x5]  }
0xc1: {  	[tilespmem:s26], [sflag:$0x2] =	stream.indirect.gather [hbm4b:s4+s14], $0x20, s14, s14, $0xb8;
	[tilespmem:$0x1ACA0] =	vst v63  }
0xc2: {  	s5 =	rddreg [dreg:$0x7]  }
0xc3: {  	[tilespmem:s25], [sflag:$0x2] =	stream.indirect.gather [hbm4b:s4+s14], $0x20, s10, s14, $0xb8;
	[tilespmem:$0x1ACA0] =	vst v63  }
0xc4: {  	s26 =	rddreg [dreg:$0x9]  }
0xc5: {  	[tilespmem:s12], [sflag:$0x2] =	stream.indirect.gather [hbm4b:s4+s14], $0x20, s5, s14, $0xb8;
	[tilespmem:$0x1ACA0] =	vst v63  }
0xc6: {  	s10 =	rddreg [dreg:$0xb]  }
0xc7: {  	[tilespmem:s8], [sflag:$0x2] =	stream.indirect.gather [hbm4b:s4+s14], $0x20, s26, s14, $0xb8;
	[tilespmem:$0x1ACA0] =	vst v63  }
0xc8: {  	s25 =	rddreg [dreg:$0x10]  }
0xc9: {  	[tilespmem:s7], [sflag:$0x2] =	stream.indirect.gather [hbm4b:s4+s14], $0x20, s10, s14, $0xb8;
	[tilespmem:$0x1ACA0] =	vst v63  }
0xca: {  	s12 =	rddreg [dreg:$0xd]  }
0xcb: {  	[tilespmem:s24], [sflag:$0x2] =	stream.indirect.gather [hbm4b:s4+s14], $0x20, s12, s14, $0xb8;
	[tilespmem:$0x1ACA0] =	vst v63  }
0xcc: {  	s5 =	simm.s32 @!p1 $0x3;
	s26 =	rddreg [dreg:$0xf]  }
0xcd: {  	[tilespmem:s25], [sflag:$0x2] =	stream.indirect.gather [hbm4b:s4+s14], $0x20, s26, s14, $0xb8;
	[tilespmem:$0x1ACA0] =	vst v63  }
0xce: {  	_ =	swait.ge @!p1 [sflag:s5], $0x1900  }
0xcf: {  	[sflag:s5] =	ssyncset.done @!p1 $0x0  }
0xd0: {  	[sflag:s5] =	ssyncadd.s32 @!p1 $0xFFFFE700  }
0xd1: {  	_ =	swait.ge @!p1 [sflag:s5], $0x1900  }
0xd2: {  	[sflag:s5] =	ssyncset.done @!p1 $0x0  }
0xd3: {  	[sflag:s5] =	ssyncadd.s32 @!p1 $0xFFFFE700  }
0xd4: {  	_ =	swait.ge @!p1 [sflag:s5], $0x1900  }
0xd5: {  	[sflag:s5] =	ssyncset.done @!p1 $0x0  }
0xd6: {  	[sflag:s5] =	ssyncadd.s32 @!p1 $0xFFFFE700  }
0xd7: {  	_ =	swait.ge @!p1 [sflag:s5], $0x1900  }
0xd8: {  	[sflag:s5] =	ssyncset.done @!p1 $0x0  }
0xd9: {  	[sflag:s5] =	ssyncadd.s32 @!p1 $0xFFFFE700  }
0xda: {  	_ =	swait.ge @!p1 [sflag:s5], $0x1900  }
0xdb: {  	[sflag:s5] =	ssyncset.done @!p1 $0x0  }
0xdc: {  	[sflag:s5] =	ssyncadd.s32 @!p1 $0xFFFFE700  }
0xdd: {  	_ =	swait.ge @!p1 [sflag:s5], $0x1900  }
0xde: {  	[sflag:s5] =	ssyncset.done @!p1 $0x0  }
0xdf: {  	[sflag:s5] =	ssyncadd.s32 @!p1 $0xFFFFE700  }
0xe0: {  	_ =	swait.ge @!p1 [sflag:s5], $0x1900  }
0xe1: {  	[sflag:s5] =	ssyncset.done @!p1 $0x0  }
0xe2: {  	[sflag:s5] =	ssyncadd.s32 @!p1 $0xFFFFE700  }
0xe3: {  	_ =	swait.ge @!p1 [sflag:s5], $0x1900  }
0xe4: {  	s3 =	sadd.s32 @!p1 $0xFFFFE600, s3;
	s8 =	simm.s32 @!p1 $0xDC80;
	[sflag:s5] =	ssyncset.done @!p1 $0x0  }
0xe5: {  	s7 =	simm.s32 @!p1 $0x5;
	[sflag:s5] =	ssyncadd.s32 @!p1 $0xFFFFE700;
	s5 =	simm.s32 @!p1 $0x0  }
0xe6: {  	[hbm4b:s3+s5] =	stream.linear.scatter @!p1 [tilespmem:s8], [sflag:$0x5], $0xD000, $0x38;
	[tilespmem:$0x1ACA0] =	vst v63  }
0xe7: {  	_ =	swait.ge @!p1 [sflag:s7], $0xD000  }
0xe8: {  	[sflag:s7] =	ssyncset.done @!p1 $0x0  }
0xe9: {  	s10 =	sadd.s32 s1, s11;
	[sflag:s7] =	ssyncadd.s32 @!p1 $0xFFFF3000  }
0xea: {  	[tilespmem:s15], [sflag:$0x6] =	stream.linear.gather [hbm4b:s10+s2], $0x640, $0x38;
	[tilespmem:$0x1ACA0] =	vst v63  }
0xeb: {  	_ =	swait.ge [sflag:s13], $0x640  }
0xec: {  	[sflag:s13] =	ssyncset.done $0x0  }
0xed: {  	[sflag:s13] =	ssyncadd.s32 $0xFFFFF9C0  }
0xee: {  	[tilespmem:$0x19280] =	vst v0  }
0xef: {  	[tilespmem:$0x14480] =	vst v0  }
0xf0: {  	[tilespmem:$0x12A80] =	vst v0  }
0xf1: {  	[tilespmem:$0x12A90] =	vst v1  }
0xf2: {  	[tilespmem:$0x11090] =	vst v1  }
0xf3: {  	[tilespmem:$0xDC80] =	vst v0  }
0xf4: {  	[tilespmem:$0x14490] =	vst v1  }
0xf5: {  	[tilespmem:$0x19290] =	vst v1  }
0xf6: {  	[tilespmem:$0x11080] =	vst v0  }
0xf7: {  	[tilespmem:$0x17880] =	vst v0  }
0xf8: {  	s11 =	rddreg [dreg:$0x11];
	[tilespmem:$0x15E80] =	vst v0  }
0xf9: {  	s3 =	rddreg [dreg:$0x19];
	[tilespmem:$0x15E90] =	vst v1  }
0xfa: {  	s7 =	rddreg [dreg:$0x17];
	[tilespmem:$0x17890] =	vst v1  }
0xfb: {  	s8 =	rddreg [dreg:$0x15];
	[tilespmem:$0xF690] =	vst v1  }
0xfc: {  	s12 =	rddreg [dreg:$0x13];
	[tilespmem:$0xDC90] =	vst v1  }
0xfd: {  	s30 =	sadd.s32 $0x3400, s30;
	s24 =	rddreg [dreg:$0x12];
	[tilespmem:$0xF680] =	vst v0  }
0xfe: {  	[tilespmem:s11], [sflag:$0x3] =	stream.indirect.gather [hbm4b:s4+s14], $0x20, s15, s14, $0xb8;
	[tilespmem:$0x1ACA0] =	vst v63  }
0xff: {  	p0 =	sne.s32 s30, $0x1A000;
	s25 =	rddreg [dreg:$0x14]  }
0x100: {  	[tilespmem:s12], [sflag:$0x3] =	stream.indirect.gather [hbm4b:s4+s14], $0x20, s24, s14, $0xb8;
	[tilespmem:$0x1ACA0] =	vst v63  }
.Ltmp0:
0x101: {  	s26 =	rddreg [dreg:$0x16];
	(pc) =	sbr.rel @p0 .LBB2_2-.Ltmp0, $4  }
0x102: {  	s5 =	rddreg [dreg:$0x1a]  }
0x103: {  	[tilespmem:s8], [sflag:$0x3] =	stream.indirect.gather [hbm4b:s4+s14], $0x20, s25, s14, $0xb8;
	[tilespmem:$0x1ACA0] =	vst v63  }
0x104: {  	s24 =	rddreg [dreg:$0x18]  }
0x105: {  	[tilespmem:s7], [sflag:$0x3] =	stream.indirect.gather [hbm4b:s4+s14], $0x20, s26, s14, $0xb8;
	[tilespmem:$0x1ACA0] =	vst v63  }
0x106: {  	[tilespmem:s3], [sflag:$0x3] =	stream.indirect.gather [hbm4b:s4+s14], $0x20, s24, s14, $0xb8;
	[tilespmem:$0x1ACA0] =	vst v63  }
0x107: {  	_ = 	snop  }
0x108: {  	[tilespmem:s16], [sflag:$0x3] =	stream.indirect.gather [hbm4b:s4+s14], $0x20, s5, s14, $0xb8;
	[tilespmem:$0x1ACA0] =	vst v63  }
0x109: {  	_ = 	snop  }
0x10a: {  	[tilespmem:s18], [sflag:$0x3] =	stream.indirect.gather [hbm4b:s4+s14], $0x20, s17, s14, $0xb8;
	[tilespmem:$0x1ACA0] =	vst v63  }
0x10b: {  	_ = 	snop  }
0x10c: {  	[tilespmem:s20], [sflag:$0x3] =	stream.indirect.gather [hbm4b:s4+s14], $0x20, s19, s14, $0xb8;
	[tilespmem:$0x1ACA0] =	vst v63  }
0x10d: {  	_ =	swait.ge [sflag:s21], $0x1900  }
0x10e: {  	[sflag:s21] =	ssyncset.done $0x0  }
0x10f: {  	[sflag:s21] =	ssyncadd.s32 $0xFFFFE700  }
0x110: {  	_ =	swait.ge [sflag:s21], $0x1900  }
0x111: {  	[sflag:s21] =	ssyncset.done $0x0  }
0x112: {  	[sflag:s21] =	ssyncadd.s32 $0xFFFFE700  }
0x113: {  	_ =	swait.ge [sflag:s21], $0x1900  }
0x114: {  	[sflag:s21] =	ssyncset.done $0x0  }
0x115: {  	[sflag:s21] =	ssyncadd.s32 $0xFFFFE700  }
0x116: {  	_ =	swait.ge [sflag:s21], $0x1900  }
0x117: {  	[sflag:s21] =	ssyncset.done $0x0  }
0x118: {  	[sflag:s21] =	ssyncadd.s32 $0xFFFFE700  }
0x119: {  	_ =	swait.ge [sflag:s21], $0x1900  }
0x11a: {  	[sflag:s21] =	ssyncset.done $0x0  }
0x11b: {  	[sflag:s21] =	ssyncadd.s32 $0xFFFFE700  }
0x11c: {  	_ =	swait.ge [sflag:s21], $0x1900  }
0x11d: {  	[sflag:s21] =	ssyncset.done $0x0  }
0x11e: {  	[sflag:s21] =	ssyncadd.s32 $0xFFFFE700  }
0x11f: {  	_ =	swait.ge [sflag:s21], $0x1900  }
0x120: {  	[sflag:s21] =	ssyncset.done $0x0  }
0x121: {  	[sflag:s21] =	ssyncadd.s32 $0xFFFFE700  }
0x122: {  	_ =	swait.ge [sflag:s21], $0x1900  }
0x123: {  	[sflag:s21] =	ssyncset.done $0x0  }
0x124: {  	s0 =	sadd.s32 s29, s9;
	[sflag:s21] =	ssyncadd.s32 $0xFFFFE700  }
0x125: {  	[hbm4b:s0+s2] =	stream.linear.scatter [tilespmem:s22], [sflag:$0x4], $0xD000, $0x38;
	[tilespmem:$0x1ACA0] =	vst v63  }
0x126: {  	_ =	swait.ge [sflag:s23], $0x1900  }
0x127: {  	[sflag:s23] =	ssyncset.done $0x0  }
0x128: {  	[sflag:s23] =	ssyncadd.s32 $0xFFFFE700  }
0x129: {  	_ =	swait.ge [sflag:s23], $0x1900  }
0x12a: {  	[sflag:s23] =	ssyncset.done $0x0  }
0x12b: {  	[sflag:s23] =	ssyncadd.s32 $0xFFFFE700  }
0x12c: {  	_ =	swait.ge [sflag:s23], $0x1900  }
0x12d: {  	[sflag:s23] =	ssyncset.done $0x0  }
0x12e: {  	[sflag:s23] =	ssyncadd.s32 $0xFFFFE700  }
0x12f: {  	_ =	swait.ge [sflag:s23], $0x1900  }
0x130: {  	[sflag:s23] =	ssyncset.done $0x0  }
0x131: {  	[sflag:s23] =	ssyncadd.s32 $0xFFFFE700  }
0x132: {  	_ =	swait.ge [sflag:s23], $0x1900  }
0x133: {  	[sflag:s23] =	ssyncset.done $0x0  }
0x134: {  	[sflag:s23] =	ssyncadd.s32 $0xFFFFE700  }
0x135: {  	_ =	swait.ge [sflag:s23], $0x1900  }
0x136: {  	[sflag:s23] =	ssyncset.done $0x0  }
0x137: {  	[sflag:s23] =	ssyncadd.s32 $0xFFFFE700  }
0x138: {  	_ =	swait.ge [sflag:s23], $0x1900  }
0x139: {  	[sflag:s23] =	ssyncset.done $0x0  }
0x13a: {  	[sflag:s23] =	ssyncadd.s32 $0xFFFFE700  }
0x13b: {  	_ =	swait.ge [sflag:s23], $0x1900  }
0x13c: {  	s26 =	simm.s32 $0xDC80;
	[sflag:s23] =	ssyncset.done $0x0  }
0x13d: {  	s29 =	simm.s32 $0x4;
	s25 =	rddreg [dreg:$0x1c];
	[sflag:s23] =	ssyncadd.s32 $0xFFFFE700  }
0x13e: {  	[hbm4b:s25+s2] =	stream.linear.scatter [tilespmem:s26], [sflag:$0x5], $0xD000, $0x38;
	[tilespmem:$0x1ACA0] =	vst v63  }
0x13f: {  	_ =	swait.ge [sflag:s29], $0xD000  }
0x140: {  	[sflag:s29] =	ssyncset.done $0x0  }
0x141: {  	s30 =	simm.s32 $0x5;
	[sflag:s29] =	ssyncadd.s32 $0xFFFF3000  }
0x142: {  	_ =	swait.ge [sflag:s30], $0xD000  }
0x143: {  	s28 =	sadd.s32 $0x1, s28;
	s31 =	rddreg [dreg:$0x1d]  }
0x144: {  	p0 =	sne.s32 s28, s31  }
.Ltmp1:
0x145: {  	_ = 	snop;
	(pc) =	sbr.rel @p0 .LBB2_1-.Ltmp1, $3  }
0x146: {  	_ =	sdelay $0x1  }
0x147: {  	[sflag:s30] =	ssyncset.done $0x0  }
0x148: {  	[sflag:s30] =	ssyncadd.s32 $0xFFFF3000  }
0x149: {  	_ =	sfence.sel $0x180000  }
0x14a: {  	[bflag:$0x0] =	sbarrier.arrive $0xFFFF  }
0x14b: {  	_ =	strace $0x9000004A  }
0x14c: {  	s0 =	stileid.u32;
	[bflag:$0x2] =	sbarrier.arrive $0xFFFF  }
0x14d: {  	p0 =	sne.s32 s0, $0x0;
	s0 =	rddreg [dreg:$0x2]  }
0x14e: {  	s0 =	sadd.s32 @!p0 $0x100000, s0  }
0x14f: {  	[sflag:s0] =	ssyncadd.tile.s32 @!p0 $0x1;
	_ =	shalt  }
.Lfunc_end2:
_tile_overlayer_lowered:
.L_overlay_start_2:
0x150: {  	(tag) =	ssettag $0x2  }
0x151: {  	s0 =	rddreg [dreg:$0x0];
	s2 =	stileid.u32  }
0x152: {  	s1 =	rddreg [dreg:$0x1];
	p0 =	sne.s32 s2, $0x0  }
0x153: {  	s3 =	rddreg [dreg:$0x2];
	[bflag:$0x3] =	sbarrier.arrive $0xFFFF;
	s2 =	simm.s32 @!p0 $0x1C06  }
0x154: {  	[timem:s3], [sflag:s2] =	dma.local @!p0 [hbm:s0], s1  }
0x155: {  	s0 =	simm.s32 @!p0 $0x6  }
0x156: {  	_ =	swait.ge @!p0 [sflag:s0], s1  }
0x157: {  	s1 =	ssub.s32 @!p0 $0x0, s1;
	[sflag:s0] =	ssyncset.done @!p0 $0x0  }
0x158: {  	[sflag:s0] =	ssyncadd.s32 @!p0 s1  }
0x159: {  	[bflag:$0x3] =	sbarrier.arrive $0xFFFF  }
0x15a: {  	_ =	shalt  }

// kernel: sparse-core-data-format-call.1.cloned.1.call-start
scs
called_computation.1_lowered:
.L_overlay_start_0:
0x0: {  	s2 =	sld [smem:$0x3FD9]  }
0x1: {  	s3 =	sld [smem:$0x3FFE];
	_ =	sdelay $0x1  }
0x2: {  	s1 =	srdreg.scid  }
0x3: {  	s0 =	sand.u32 $0x1, s1  }
0x4: {  	s18 =	sshll.u32 s0, $0xA;
	s2 =	sadd.s32 s3, s2  }
0x5: {  	s2 =	sadd.s32 s2, s18  }
0x6: {  	[smem:$0x3FC6] =	sst s2  }
0x7: {  	_ = 	snop  }
0x8: {  	s2 =	sld [smem:$0x3FC8];
	(tm) =	ssettm $0x1  }
0x9: {  	s19 =	sld [smem:$0x3FFB];
	_ =	sdelay $0x3  }
0xa: {  	_ =	strace s19  }
0xb: {  	s3 =	sld [smem:$0x3FFC];
	_ =	sdelay $0x3  }
0xc: {  	_ =	strace s3  }
0xd: {  	s3 =	sld [smem:$0x3FFD];
	_ =	sdelay $0x3  }
0xe: {  	_ =	strace s3  }
0xf: {  	_ =	strace $0x8FFFFFFF  }
0x10: {  	s20 =	sld [smem:$0x3FDB];
	_ =	sdelay $0x1  }
0x11: {  	s4 =	simm.s32 $_scs_section_size  }
0x12: {  	s5 =	simm.s32 $_size__tile_overlayer_lowered;
	s6 =	simm.s32 $_tile_overlayer_lowered  }
0x13: {  	s23 =	simm.s32 $0x1BFF;
	s22 =	sshll.u32 s6, $0x1;
	s3 =	sadd.s32 s4, s20  }
0x14: {  	s7 =	simm.s32 $0x0;
	s21 =	sshll.u32 s5, $0x1;
	s5 =	sadd.s32 s22, s3  }
0x15: {  	[timem:s7], [sflag:s23] =	dma.local [hbm:s5], s21  }
0x16: {  	_ =	swait.ge [sflag:s23], s21  }
0x17: {  	s4 =	ssub.s32 $0x0, s21;
	[sflag:s23] =	ssyncset.done $0x0  }
0x18: {  	[sflag:s23] =	ssyncadd.s32 s4;
	_ =	sdelay $0x1  }
0x19: {  	s24 =	simm.s32 $0x1B8B  }
0x1a: {  	_ =	swait.ge [sflag:s24], $0x1  }
0x1b: {  	[sflag:s24] =	ssyncset.done $0x0  }
0x1c: {  	s26 =	simm.s32 $0x1B8E;
	s25 =	sld [smem:$0x3FFE];
	[sflag:s24] =	ssyncadd.s32 $0xFFFFFFFF  }
0x1d: {  	s27 =	simm.s32 $execute0_lowered;
	[smem:$0x3FD2] =	sst s26  }
0x1e: {  	s5 =	sshll.u32 s27, $0x1;
	_ =	strace $0x80000046;
	[dreg:$0x1] =	wrdreg $0xFFFFFFFF  }
0x1f: {  	s28 =	simm.s32 $_size_execute0_lowered;
	s3 =	sadd.s32 s3, s5;
	[dreg:$0x0] =	wrdreg $0x0  }
0x20: {  	s5 =	sshll.u32 s28, $0x1;
	[dreg:$0x2] =	wrdreg s3  }
0x21: {  	[dreg:$0x3] =	wrdreg s5  }
0x22: {  	[dreg:$0x4] =	wrdreg $0xC0  }
0x23: {  	_ =	task [dreg:s7], $0x5FFFF  }
0x24: {  	[dreg:$0x1] =	wrdreg $0xFFFFFFFF  }
0x25: {  	[dreg:$0x0] =	wrdreg $0x60  }
0x26: {  	[dreg:$0x2] =	wrdreg s2  }
0x27: {  	[dreg:$0x3] =	wrdreg s25  }
0x28: {  	[dreg:$0x4] =	wrdreg $0x9  }
0x29: {  	_ =	task.clear_ibuf [dreg:s7], $0x5FFFF;
	_ =	strace $0x90000046  }
0x2a: {  	s29 =	simm.s32 $0x9;
	_ =	strace $0x80000048  }
0x2b: {  	_ =	swait.ge [sflag:s29], $0x1  }
0x2c: {  	[sflag:s29] =	ssyncadd.s32 $0xFFFFFFFF  }
0x2d: {  	_ =	strace $0x90000048  }
0x2e: {  	_ =	sfence  }
0x2f: {  	s30 =	sld [smem:$0x0];
	_ =	sdelay $0x2  }
0x30: {  	s31 =	sshll.u32 s1, $0xD;
	s1 =	sshrl.u32 s1, $0x2  }
0x31: {  	s3 =	sand.u32 $0x4000, s31;
	s1 =	sadd.s32 s1, s30  }
0x32: {  	s0 =	sor.u32 s3, s0;
	s1 =	sshll.u32 s1, $0x11  }
0x33: {  	s0 =	sor.u32 s1, s0  }
0x34: {  	s0 =	sadd.s32 $0x8F2B, s0  }
0x35: {  	[sflag:s0] =	ssyncadd.remote.s32 $0x1  }
0x36: {  	_ =	sfence.sel $0xFFFF  }
0x37: {  	[dreg:$0x0] =	wrdreg $0xFFFFFFFF;
	(pc) =	sbr.abs _section_cstart, $3  }
0x38: {  	[dreg:$0x1] =	wrdreg $0xFFFFFFFF  }
0x39: {  	_ =	task.clear_ibuf [dreg:s7], $0x2FFFF;
	_ =	strace $0x9FFFFFFF  }
0x3a: {  	(tm) =	ssettm $0x7FFFFFFF  }
0x3b: {  	_ =	shalt  }
tec
execute0_lowered:
.L_overlay_start_1:
0x0: {  	(tag) =	ssettag $0x1  }
0x1: {  	s0 =	srdreg.scid;
	s2 =	rddreg [dreg:$0x0]  }
0x2: {  	s5 =	rddreg [dreg:$0x1];
	s1 =	stileid.u32  }
0x3: {  	s4 =	simm.s32 $0x1;
	s6 =	simm.s32 $0x2;
	s15 =	simm.s32 $0x0  }
0x4: {  	p0 =	por $0x0, $0x0;
	s8 =	simm.s32 $0x80;
	s0 =	sshll.u32 s0, $0x4  }
0x5: {  	s14 =	simm.s32 $0x0;
	s9 =	simm.s32 $0x0;
	s3 =	sand.u32 $0x10, s0  }
.Ltmp0:
0x6: {  	s10 =	simm.s32 $0x0;
	s3 =	sor.u32 s1, s3;
	(pc) =	sbr.rel .LBB1_1-.Ltmp0, $4  }
0x7: {  	s0 =	rddreg [dreg:$0x2];
	_ =	strace $0x80000047;
	s3 =	sshll.u32 s3, $0x7  }
0x8: {  	s12 =	simm.s32 $0x0;
	[sflag:s4] =	ssyncpa.u1 $0x0;
	s7 =	ssub.s32 $0xF4200, s3  }
0x9: {  	s13 =	simm.s32 $0x0;
	[sflag:s6] =	ssyncpa.u1 $0x0;
	s6 =	sshrl.u32 s7, $0xC  }
0xa: {  	s5 =	sadd.s32 $0xE00, s5;
	s11 =	smov.u32 s3;
	s7 =	sadd.s32 $0x2, s6  }
.LBB1_5:
0xb: {  	p1 =	slt.u32 s13, $0x2  }
0xc: {  	s17 =	smov.u32 s15;
	p2 =	sgt.s32 @!p1 s15, $0xF41C0;
	s16 =	sshra.s32 @!p1 s15, $0x1F  }
0xd: {  	p3 =	sgt.s32 @!p1 s14, $0x60;
	s18 =	sshra.s32 @!p1 s14, $0x1F;
	p2 =	por !p2, p1  }
0xe: {  	s15 =	sand.u32 @!p1 s16, s15;
	p3 =	por !p3, p1;
	s16 =	smov.u32 s14  }
0xf: {  	s14 =	sand.u32 @!p1 s18, s14;
	s17 =	simm.s32 @p2 $0xF41C0;
	s16 =	simm.s32 @p3 $0x60  }
0x10: {  	s15 =	ssub.s32 @!p1 s17, s15;
	s14 =	ssub.s32 @!p1 s16, s14  }
0x11: {  	s18 =	smov.u32 s12;
	s16 =	sadd.s32 @!p1 $0xFFF0BE40, s15;
	s17 =	sadd.s32 @!p1 $0xFFFFFFA0, s14  }
0x12: {  	s15 =	ssub.s32 @!p1 $0xF4240, s15;
	p2 =	sgt.s32 @!p1 s16, $0x7F;
	p3 =	sgt.s32 @!p1 s17, $0x1F  }
0x13: {  	s14 =	ssub.s32 @!p1 $0x80, s14;
	p2 =	por !p2, p1;
	p3 =	por !p3, p1  }
0x14: {  	s16 =	sadd.s32 $0x1000, s11;
	s15 =	simm.s32 @!p2 $0x0;
	s14 =	simm.s32 @!p3 $0x0  }
0x15: {  	p2 =	sgt.s32 s16, $0xF423F;
	s14 =	smul.u32 @!p1 s14, s15;
	s15 =	sadd.s32 $0x20, s12  }
0x16: {  	s18 =	smov.u32 @p2 s15  }
0x17: {  	s16 =	smov.u32 @p2 s3;
	p2 =	sgt.s32 s18, $0x1F  }
0x18: {  	s18 =	simm.s32 @p2 $0x0;
	p2 =	sne.s32 s13, s7  }
.Ltmp1:
0x19: {  	p0 =	por !p0, !p0;
	s17 =	simm.s32 @!p1 $0x2;
	(pc) =	sbr.rel @!p2 .LBB1_6-.Ltmp1, $4  }
0x1a: {  	s15 =	smov.u32 s9;
	s9 =	smov.u32 s11;
	s14 =	sand.u32 @!p1 $0x3FFFFFFF, s14  }
0x1b: {  	s11 =	smov.u32 s16;
	_ =	swait.ge @!p1 [sflag:s17], s14;
	s19 =	ssub.s32 @!p1 $0x0, s14  }
0x1c: {  	s14 =	smov.u32 s10;
	s13 =	sadd.s32 $0x1, s13;
	[sflag:s17] =	ssyncset.done @!p1 $0x0  }
0x1d: {  	s10 =	smov.u32 s12;
	s12 =	smov.u32 s18;
	[sflag:s17] =	ssyncadd.s32 @!p1 s19  }
.LBB1_1:
0x1e: {  	p1 =	sgt.u32 s13, s6  }
0x1f: {  	s16 =	sshrl.u32 @!p1 s12, $0x3  }
0x20: {  	s17 =	sshll.u32 @!p1 s11, $0x3;
	s16 =	smul.u32 @!p1 $0x7A1400, s16  }
0x21: {  	s18 =	sshll.u32 @!p1 s12, $0x7;
	s17 =	sand.u32 @!p1 $0xFFFFFC00, s17  }
0x22: {  	s16 =	sadd.s32 @!p1 s16, s17;
	s17 =	sand.u32 @!p1 $0x380, s18  }
0x23: {  	s18 =	sand.u32 @!p1 $0x7F, s11;
	s16 =	sor.u32 @!p1 s17, s16  }
0x24: {  	s17 =	sor.u32 @!p1 s18, s16  }
0x25: {  	s18 =	smulhi.u32 @!p1 $0x218D6287, s17;
	_ =	sdelay $0x1  }
0x26: {  	s16 =	smulhi.u32 @!p1 $0x218D6287, s16;
	s18 =	sshrl.u32 @!p1 s18, $0x11  }
0x27: {  	s18 =	smul.u32 @!p1 $0xF4280, s18  }
0x28: {  	s19 =	sxor.u32 @!p1 $0xFFFFFFFF, s13;
	s16 =	sshrl.u32 @!p1 s16, $0x11  }
0x29: {  	s19 =	sshll.u32 @!p1 s19, $0xC;
	s16 =	sand.u32 @!p1 $0x1F, s16;
	s17 =	ssub.s32 @!p1 s17, s18  }
0x2a: {  	s16 =	smul.u32 @!p1 $0x1E850, s16;
	s18 =	sshrl.u32 @!p1 s17, $0x3;
	s17 =	sand.u32 @!p1 $0x7, s17  }
0x2b: {  	s19 =	sand.u32 @!p1 $0x1000, s19;
	s18 =	sadd.s32 @!p1 s2, s18;
	s17 =	sshll.u32 @!p1 s17, $0x12  }
0x2c: {  	s16 =	sadd.s32 @!p1 s16, s18;
	s17 =	sor.u32 @!p1 $0x400, s17;
	s18 =	simm.s32 @!p1 $0x7A1400  }
0x2d: {  	[tilespmem:s19], [sflag:$0x1] =	stream.strided.gather @!p1 [hbm4b:s16+s17], $0x1000, s18, s17, $0x38;
	[tilespmem:$0x4100] =	vst v63  }
0x2e: {  	p1 =	seq.s32 s13, $0x0  }
0x2f: {  	p2 =	sge.u32 @!p1 s13, s7  }
0x30: {  	p1 =	por p1, p2  }
.Ltmp2:
0x31: {  	_ = 	snop;
	(pc) =	sbr.rel @p1 .LBB1_5-.Ltmp2, $1  }
0x32: {  	_ =	sdelay $0x3  }
0x33: {  	s16 =	simm.s32 $0x1  }
0x34: {  	_ =	swait.ge [sflag:s4], $0x1000;
	s16 =	simm.s32 @!p0 $0x0  }
0x35: {  	[sflag:s4] =	ssyncset.done $0x0;
	s17 =	sshll.u32 s16, $0xC  }
0x36: {  	[sflag:s4] =	ssyncadd.s32 $0xFFFFF000;
	s17 =	sor.u32 $0x40, s17  }
0x37: {  	s16 =	smul.u32 $0x4200, s16;
	v0 =	vld [tilespmem:s17+$0x30]  }
0x38: {  	v1 =	vld [tilespmem:s17+$0xFFFFFFD0]  }
0x39: {  	s16 =	sshrl.u32 s16, $0x2;
	v5 =	vld [tilespmem:s17+$0xFFFFFFE0]  }
0x3a: {  	v6 =	vld [tilespmem:s17+$0xFFFFFFF0];
	s19 =	sor.u32 $0x2000, s16  }
0x3b: {  	s31 =	sand.u32 $0x1, s13;
	v4 =	vld [tilespmem:s17+$0x0];
	s18 =	sadd.s32 $0x0, s19  }
0x3c: {  	v3 =	vld [tilespmem:s17+$0x10];
	s16 =	smul.u32 $0x4200, s31;
	[tilespmem:s18+$0xE70 ss:$0x21] =	vst.msk $0xffff, v0  }
0x3d: {  	v2 =	vld [tilespmem:s17+$0x20];
	[tilespmem:s18+$0x210 ss:$0x21] =	vst.msk $0xffff, v1  }
0x3e: {  	s16 =	sshrl.u32 s16, $0x2;
	v1 =	vld [tilespmem:s17+$0xFFFFFFC0];
	[tilespmem:s18+$0x420 ss:$0x21] =	vst.msk $0xffff, v5;
	s17 =	sadd.s32 $0x80, s17  }
0x3f: {  	s20 =	simm.s32 $0x4;
	s21 =	simm.s32 $0x8;
	s16 =	sor.u32 $0x2000, s16;
	[tilespmem:s18+$0x630 ss:$0x21] =	vst.msk $0xffff, v6;
	v0 =	vld [tilespmem:s17+$0x30]  }
.LBB1_3:
0x40: {  	p1 =	sne.s32 s21, $0x7C;
	v5 =	vld [tilespmem:s17+$0xFFFFFFD0];
	[tilespmem:s18+$0x840 ss:$0x21] =	vst.msk $0xffff, v4  }
0x41: {  	v6 =	vld [tilespmem:s17+$0xFFFFFFE0];
	[tilespmem:s18+$0xA50 ss:$0x21] =	vst.msk $0xffff, v3  }
0x42: {  	s22 =	sshra.s32 s20, $0x2;
	s20 =	smov.u32 s21;
	v7 =	vld [tilespmem:s17+$0xFFFFFFF0];
	[tilespmem:s18+$0xC60 ss:$0x21] =	vst.msk $0xffff, v2  }
.Ltmp3:
0x43: {  	v4 =	vld [tilespmem:s17+$0x0];
	[tilespmem:s18+$0x0 ss:$0x21] =	vst.msk $0xffff, v1;
	s18 =	sadd.s32 s22, s19;
	(pc) =	sbr.rel @p1 .LBB1_3-.Ltmp3, $4  }
0x44: {  	v3 =	vld [tilespmem:s17+$0x10];
	[tilespmem:s18+$0xE70 ss:$0x21] =	vst.msk $0xffff, v0  }
0x45: {  	[tilespmem:s18+$0x210 ss:$0x21] =	vst.msk $0xffff, v5;
	v2 =	vld [tilespmem:s17+$0x20]  }
0x46: {  	v1 =	vld [tilespmem:s17+$0xFFFFFFC0];
	[tilespmem:s18+$0x420 ss:$0x21] =	vst.msk $0xffff, v6;
	s17 =	sadd.s32 $0x80, s17  }
0x47: {  	s21 =	sadd.s32 $0x4, s21;
	v0 =	vld [tilespmem:s17+$0x30];
	[tilespmem:s18+$0x630 ss:$0x21] =	vst.msk $0xffff, v7  }
0x48: {  	s21 =	sshll.u32 s9, $0x7;
	s22 =	sshll.u32 s10, $0x3;
	s20 =	sshra.s32 s20, $0x2  }
0x49: {  	p1 =	sgt.s32 s9, $0xF41C0;
	s30 =	sshra.s32 s9, $0x1F;
	s25 =	sshra.s32 s10, $0x1F  }
0x4a: {  	v5 =	vld [tilespmem:s17+$0xFFFFFFD0];
	s28 =	sshrl.u32 s10, $0x3;
	s23 =	sand.u32 $0xFFFFFC00, s21;
	s22 =	sand.u32 $0xFFFFFC00, s22  }
0x4b: {  	[tilespmem:s18+$0x840 ss:$0x21] =	vst.msk $0xffff, v4;
	v58 =	vld [tilespmem:s17+$0xFFFFFFE0];
	s21 =	sand.u32 $0x380, s21;
	s19 =	sadd.s32 s20, s19;
	s22 =	sadd.s32 s22, s23  }
0x4c: {  	v59 =	vld [tilespmem:s17+$0xFFFFFFF0];
	[tilespmem:s18+$0xA50 ss:$0x21] =	vst.msk $0xffff, v3;
	s29 =	sor.u32 s21, s22;
	s21 =	smov.u32 s9;
	s22 =	sand.u32 s30, s9  }
0x4d: {  	v60 =	vld [tilespmem:s17+$0x0];
	[tilespmem:s18+$0xC60 ss:$0x21] =	vst.msk $0xffff, v2;
	s30 =	sand.u32 $0x7, s10;
	s20 =	sshrl.u32 s29, $0x7;
	s21 =	simm.s32 @!p1 $0xF41C0  }
0x4e: {  	v61 =	vld [tilespmem:s17+$0x10];
	[tilespmem:s18+$0x0 ss:$0x21] =	vst.msk $0xffff, v1;
	p1 =	sgt.s32 s10, $0x60;
	s24 =	ssub.s32 s21, s22;
	s21 =	smov.u32 s10  }
0x4f: {  	v62 =	vld [tilespmem:s17+$0x20];
	[tilespmem:s19+$0xE70 ss:$0x21] =	vst.msk $0xffff, v0;
	s31 =	smulhi.u32 $0x218DEF5, s20;
	s22 =	sand.u32 s25, s10;
	s21 =	simm.s32 @!p1 $0x60  }
0x50: {  	v63 =	vld [tilespmem:s17+$0xFFFFFFC0];
	[tilespmem:s19+$0x210 ss:$0x21] =	vst.msk $0xffff, v5;
	s26 =	sadd.s32 $0xFFF0BE40, s24;
	s17 =	ssub.s32 $0xF4240, s24;
	s21 =	ssub.s32 s21, s22  }
0x51: {  	[tilespmem:s19+$0x420 ss:$0x21] =	vst.msk $0xffff, v58;
	s23 =	sshrl.u32 s31, $0xD;
	p1 =	sgt.s32 s26, $0x7F;
	s27 =	sadd.s32 $0xFFFFFFA0, s21  }
0x52: {  	[tilespmem:s19+$0x630 ss:$0x21] =	vst.msk $0xffff, v59;
	s23 =	smul.u32 $0xF4240, s23;
	s18 =	ssub.s32 $0x80, s21;
	p2 =	sgt.s32 s27, $0x1F  }
.Ltmp4:
0x53: {  	[tilespmem:s19+$0x840 ss:$0x21] =	vst.msk $0xffff, v60;
	s17 =	simm.s32 @p1 $0x0;
	s18 =	simm.s32 @p2 $0x0;
	(pc) =	sbr.rel .LBB1_5-.Ltmp4, $4  }
0x54: {  	s29 =	sand.u32 $0xF, s28;
	[tilespmem:s19+$0xA50 ss:$0x21] =	vst.msk $0xffff, v61;
	s20 =	ssub.s32 s20, s23;
	s17 =	smul.u32 s18, s17  }
0x55: {  	[tilespmem:s19+$0xC60 ss:$0x21] =	vst.msk $0xffff, v62;
	s21 =	sshll.u32 s30, $0x12;
	s20 =	sshll.u32 s20, $0x4;
	s18 =	sadd.s32 s5, s29  }
0x56: {  	[tilespmem:s19+$0x0 ss:$0x21] =	vst.msk $0xffff, v63;
	s31 =	sor.u32 $0x20, s21;
	s18 =	sadd.s32 s20, s18;
	s17 =	sand.u32 $0x3FFFFFFF, s17  }
0x57: {  	[hbm4b:s18+s31] =	stream.strided.scatter [tilespmem:s16], [sflag:$0x2], s17, s8, s31, $0x10;
	[tilespmem:$0x4100] =	vst v63  }
.LBB1_6:
0x58: {  	_ =	sfence.sel $0x180000  }
0x59: {  	s2 =	simm.s32 $0x1;
	[bflag:$0x0] =	sbarrier.arrive $0xFFFF  }
0x5a: {  	s31 =	simm.s32 $0x2;
	[sflag:s2] =	ssyncpa.u1 $0x1  }
0x5b: {  	[sflag:s31] =	ssyncpa.u1 $0x1  }
0x5c: {  	p0 =	sne.s32 s1, $0x0;
	_ =	strace $0x90000047  }
0x5d: {  	s0 =	sadd.s32 @!p0 $0x100000, s0;
	[bflag:$0x2] =	sbarrier.arrive $0xFFFF  }
0x5e: {  	[sflag:s0] =	ssyncadd.tile.s32 @!p0 $0x1;
	_ =	shalt  }
.Lfunc_end1:
_tile_overlayer_lowered:
.L_overlay_start_2:
0x5f: {  	(tag) =	ssettag $0x2  }
0x60: {  	s0 =	rddreg [dreg:$0x0];
	s2 =	stileid.u32  }
0x61: {  	s1 =	rddreg [dreg:$0x1];
	p0 =	sne.s32 s2, $0x0  }
0x62: {  	s3 =	rddreg [dreg:$0x2];
	[bflag:$0x3] =	sbarrier.arrive $0xFFFF;
	s2 =	simm.s32 @!p0 $0x1C01  }
0x63: {  	[timem:s3], [sflag:s2] =	dma.local @!p0 [hbm:s0], s1  }
0x64: {  	s0 =	simm.s32 @!p0 $0x1  }
0x65: {  	_ =	swait.ge @!p0 [sflag:s0], s1  }
0x66: {  	s1 =	ssub.s32 @!p0 $0x0, s1;
	[sflag:s0] =	ssyncset.done @!p0 $0x0  }
0x67: {  	[sflag:s0] =	ssyncadd.s32 @!p0 s1  }
0x68: {  	[bflag:$0x3] =	sbarrier.arrive $0xFFFF  }
0x69: {  	_ =	shalt  }

// kernel: sparse-core-data-format-call.cloned.1.call-start
scs
called_computation_lowered:
.L_overlay_start_0:
0x0: {  	s2 =	sld [smem:$0x3FD9]  }
0x1: {  	s3 =	sld [smem:$0x3FFE];
	_ =	sdelay $0x1  }
0x2: {  	s1 =	srdreg.scid  }
0x3: {  	s0 =	sand.u32 $0x1, s1  }
0x4: {  	s18 =	sshll.u32 s0, $0xA;
	s2 =	sadd.s32 s3, s2  }
0x5: {  	s2 =	sadd.s32 s2, s18  }
0x6: {  	[smem:$0x3FC6] =	sst s2  }
0x7: {  	_ = 	snop  }
0x8: {  	s2 =	sld [smem:$0x3FD0];
	(tm) =	ssettm $0x1  }
0x9: {  	s19 =	sld [smem:$0x3FFB];
	_ =	sdelay $0x3  }
0xa: {  	_ =	strace s19  }
0xb: {  	s3 =	sld [smem:$0x3FFC];
	_ =	sdelay $0x3  }
0xc: {  	_ =	strace s3  }
0xd: {  	s3 =	sld [smem:$0x3FFD];
	_ =	sdelay $0x3  }
0xe: {  	_ =	strace s3  }
0xf: {  	_ =	strace $0x8FFFFFFF  }
0x10: {  	s20 =	sld [smem:$0x3FDB];
	_ =	sdelay $0x1  }
0x11: {  	s4 =	simm.s32 $_scs_section_size  }
0x12: {  	s5 =	simm.s32 $_size__tile_overlayer_lowered;
	s6 =	simm.s32 $_tile_overlayer_lowered  }
0x13: {  	s23 =	simm.s32 $0x1BFF;
	s22 =	sshll.u32 s6, $0x1;
	s3 =	sadd.s32 s4, s20  }
0x14: {  	s7 =	simm.s32 $0x0;
	s21 =	sshll.u32 s5, $0x1;
	s5 =	sadd.s32 s22, s3  }
0x15: {  	[timem:s7], [sflag:s23] =	dma.local [hbm:s5], s21  }
0x16: {  	_ =	swait.ge [sflag:s23], s21  }
0x17: {  	s4 =	ssub.s32 $0x0, s21;
	[sflag:s23] =	ssyncset.done $0x0  }
0x18: {  	[sflag:s23] =	ssyncadd.s32 s4;
	_ =	sdelay $0x1  }
0x19: {  	s24 =	simm.s32 $0x1B8B  }
0x1a: {  	_ =	swait.ge [sflag:s24], $0x1  }
0x1b: {  	[sflag:s24] =	ssyncset.done $0x0  }
0x1c: {  	s26 =	simm.s32 $0x1B8E;
	s25 =	sld [smem:$0x3FFE];
	[sflag:s24] =	ssyncadd.s32 $0xFFFFFFFF  }
0x1d: {  	s27 =	simm.s32 $execute0_lowered;
	[smem:$0x3FD2] =	sst s26  }
0x1e: {  	s5 =	sshll.u32 s27, $0x1;
	_ =	strace $0x8000004C;
	[dreg:$0x1] =	wrdreg $0xFFFFFFFF  }
0x1f: {  	s28 =	simm.s32 $_size_execute0_lowered;
	s3 =	sadd.s32 s3, s5;
	[dreg:$0x0] =	wrdreg $0x0  }
0x20: {  	s5 =	sshll.u32 s28, $0x1;
	[dreg:$0x2] =	wrdreg s3  }
0x21: {  	[dreg:$0x3] =	wrdreg s5  }
0x22: {  	[dreg:$0x4] =	wrdreg $0xC0  }
0x23: {  	_ =	task [dreg:s7], $0x5FFFF  }
0x24: {  	[dreg:$0x1] =	wrdreg $0xFFFFFFFF  }
0x25: {  	[dreg:$0x0] =	wrdreg $0x60  }
0x26: {  	[dreg:$0x2] =	wrdreg s25  }
0x27: {  	[dreg:$0x3] =	wrdreg s2  }
0x28: {  	[dreg:$0x4] =	wrdreg $0x9  }
0x29: {  	_ =	task.clear_ibuf [dreg:s7], $0x5FFFF;
	_ =	strace $0x9000004C  }
0x2a: {  	s29 =	simm.s32 $0x9;
	_ =	strace $0x8000004E  }
0x2b: {  	_ =	swait.ge [sflag:s29], $0x1  }
0x2c: {  	[sflag:s29] =	ssyncadd.s32 $0xFFFFFFFF  }
0x2d: {  	_ =	strace $0x9000004E  }
0x2e: {  	_ =	sfence  }
0x2f: {  	s30 =	sld [smem:$0x0];
	_ =	sdelay $0x2  }
0x30: {  	s31 =	sshll.u32 s1, $0xD;
	s1 =	sshrl.u32 s1, $0x2  }
0x31: {  	s3 =	sand.u32 $0x4000, s31;
	s1 =	sadd.s32 s1, s30  }
0x32: {  	s0 =	sor.u32 s3, s0;
	s1 =	sshll.u32 s1, $0x11  }
0x33: {  	s0 =	sor.u32 s1, s0  }
0x34: {  	s0 =	sadd.s32 $0x8F2B, s0  }
0x35: {  	[sflag:s0] =	ssyncadd.remote.s32 $0x1  }
0x36: {  	_ =	sfence.sel $0xFFFF  }
0x37: {  	[dreg:$0x0] =	wrdreg $0xFFFFFFFF;
	(pc) =	sbr.abs _section_cstart, $3  }
0x38: {  	[dreg:$0x1] =	wrdreg $0xFFFFFFFF  }
0x39: {  	_ =	task.clear_ibuf [dreg:s7], $0x2FFFF;
	_ =	strace $0x9FFFFFFF  }
0x3a: {  	(tm) =	ssettm $0x7FFFFFFF  }
0x3b: {  	_ =	shalt  }
tec
execute0_lowered:
.L_overlay_start_1:
0x0: {  	(tag) =	ssettag $0x1  }
0x1: {  	s0 =	srdreg.scid  }
0x2: {  	s1 =	sshll.u32 s0, $0x4  }
0x3: {  	s0 =	stileid.u32;
	s1 =	sand.u32 $0x10, s1  }
0x4: {  	s1 =	sor.u32 s0, s1  }
0x5: {  	s6 =	rddreg [dreg:$0x0];
	s4 =	simm.s32 $0x1;
	s2 =	sshll.u32 s1, $0x7  }
0x6: {  	s7 =	simm.s32 $0x2;
	s12 =	simm.s32 $0x0;
	s1 =	ssub.s32 $0x1000, s2  }
0x7: {  	s8 =	simm.s32 $0x8000;
	s13 =	simm.s32 $0x0;
	s3 =	sand.u32 $0xF80, s1  }
0x8: {  	s9 =	simm.s32 $0x0;
	s5 =	sshrl.u32 s1, $0xC;
	p0 =	sne.s32 s3, $0x0  }
.Ltmp0:
0x9: {  	s1 =	rddreg [dreg:$0x2];
	s4 =	simm.s32 @!p0 $0x0;
	(pc) =	sbr.rel .LBB1_1-.Ltmp0, $4  }
0xa: {  	s11 =	simm.s32 $0x0;
	s3 =	rddreg [dreg:$0x1];
	s5 =	sadd.s32 s4, s5  }
0xb: {  	_ =	strace $0x8000004D;
	s4 =	simm.s32 $0x1;
	s5 =	smul.u32 $0xC9, s5  }
0xc: {  	s6 =	sadd.s32 $0x340E00, s6;
	s10 =	smov.u32 s2;
	[sflag:s4] =	ssyncpa.u1 $0x0  }
0xd: {  	p0 =	por $0x0, $0x0;
	[sflag:s7] =	ssyncpa.u1 $0x0;
	s7 =	sadd.s32 $0x1, s5  }
.LBB1_4:
0xe: {  	s16 =	sshll.u32 s13, $0x3;
	s17 =	sand.u32 $0x78, s13  }
0xf: {  	s30 =	sand.u32 $0x3E00, s13;
	s12 =	sshll.u32 s12, $0xE;
	s16 =	sand.u32 $0xC00, s16  }
0x10: {  	s31 =	sand.u32 $0x7, s13;
	s16 =	sor.u32 s17, s16;
	s17 =	sadd.s32 s3, s30  }
0x11: {  	s13 =	sshll.u32 s31, $0x12;
	s16 =	sshrl.u32 s16, $0x3;
	s12 =	sadd.s32 s12, s17  }
0x12: {  	[tilespmem:s15+$0x0 ss:$0x81] =	vst.msk $0xffff, v0;
	s13 =	sor.u32 $0x400, s13;
	s12 =	sadd.s32 s16, s12  }
0x13: {  	[hbm4b:s12+s13] =	stream.strided.scatter [tilespmem:s14], [sflag:$0x2], $0x1000, s8, s13, $0x20;
	[tilespmem:$0x4040] =	vst v63  }
.LBB1_5:
0x14: {  	s14 =	sadd.s32 $0x1, s9  }
0x15: {  	s12 =	sadd.s32 $0x1000, s10;
	s16 =	smov.u32 s10;
	p2 =	sgt.s32 s14, $0xC8  }
0x16: {  	s16 =	smov.u32 @p2 s12  }
0x17: {  	s14 =	simm.s32 @p2 $0x0;
	p2 =	sgt.s32 s16, $0xFFF  }
0x18: {  	s16 =	smov.u32 @p2 s2;
	p2 =	sne.s32 s11, s7  }
.Ltmp1:
0x19: {  	p1 =	slt.u32 s11, $0x2;
	(pc) =	sbr.rel @!p2 .LBB1_6-.Ltmp1, $4  }
0x1a: {  	s15 =	simm.s32 @!p1 $0x2  }
0x1b: {  	s13 =	smov.u32 s10;
	p0 =	por !p0, !p0;
	_ =	swait.ge @!p1 [sflag:s15], $0x1000  }
0x1c: {  	s12 =	smov.u32 s9;
	[sflag:s15] =	ssyncset.done @!p1 $0x0;
	s9 =	smov.u32 s14  }
0x1d: {  	s11 =	sadd.s32 $0x1, s11;
	[sflag:s15] =	ssyncadd.s32 @!p1 $0xFFFFF000;
	s10 =	smov.u32 s16  }
.LBB1_1:
0x1e: {  	p1 =	sge.u32 s11, s5  }
0x1f: {  	s14 =	sand.u32 @!p1 $0x1FFFFFF, s9  }
0x20: {  	s15 =	smulhi.u32 @!p1 $0x2762763, s14;
	_ =	sdelay $0x1  }
0x21: {  	s15 =	sshrl.u32 @!p1 s15, $0x1  }
0x22: {  	s15 =	smul.u32 @!p1 $0xD0, s15  }
0x23: {  	s16 =	sxor.u32 @!p1 $0xFFFFFFFF, s11;
	s17 =	smul.u32 @!p1 $0xD00, s10  }
0x24: {  	s31 =	sadd.s32 $0xFFFFFFFF, s11;
	s16 =	sshll.u32 @!p1 s16, $0xC;
	s14 =	ssub.s32 @!p1 s14, s15  }
0x25: {  	s15 =	sand.u32 @!p1 $0x1000, s16;
	s16 =	sadd.s32 @!p1 s6, s17;
	s14 =	sshll.u32 @!p1 s14, $0x4  }
0x26: {  	s17 =	simm.s32 @!p1 $0x6800;
	s14 =	sadd.s32 @!p1 s14, s16;
	s16 =	simm.s32 @!p1 $0x20  }
0x27: {  	[tilespmem:s15], [sflag:$0x1] =	stream.strided.gather @!p1 [hbm4b:s14+s16], $0x1000, s17, s16, $0x38;
	[tilespmem:$0x4040] =	vst v63  }
0x28: {  	p1 =	sge.u32 s31, s5  }
.Ltmp2:
0x29: {  	_ = 	snop;
	(pc) =	sbr.rel @p1 .LBB1_5-.Ltmp2, $1  }
0x2a: {  	_ =	sdelay $0x3  }
0x2b: {  	s14 =	simm.s32 $0x1  }
0x2c: {  	_ =	swait.ge [sflag:s4], $0x1000;
	s14 =	simm.s32 @!p0 $0x0  }
0x2d: {  	[sflag:s4] =	ssyncset.done $0x0;
	s15 =	sshll.u32 s14, $0xC  }
0x2e: {  	[sflag:s4] =	ssyncadd.s32 $0xFFFFF000;
	s18 =	sor.u32 $0x10, s15  }
0x2f: {  	s14 =	smul.u32 $0x4080, s14;
	v1 =	vld [tilespmem:s18+$0x0]  }
0x30: {  	s30 =	sand.u32 $0x1, s11;
	v0 =	vld [tilespmem:s18+$0xFFFFFFF0]  }
0x31: {  	s15 =	smul.u32 $0x4080, s30;
	s14 =	sshrl.u32 s14, $0x2  }
0x32: {  	s16 =	sor.u32 $0x2000, s14  }
0x33: {  	s31 =	sshrl.u32 s15, $0x2;
	s15 =	sadd.s32 $0x0, s16  }
0x34: {  	s17 =	simm.s32 $0x4;
	s18 =	sadd.s32 $0x20, s18;
	s14 =	sor.u32 $0x2000, s31;
	[tilespmem:s15+$0x810 ss:$0x81] =	vst.msk $0xffff, v1  }
.LBB1_3:
0x35: {  	v1 =	vld [tilespmem:s18+$0x0];
	p1 =	sne.s32 s17, $0x1FC;
	[tilespmem:s15+$0x0 ss:$0x81] =	vst.msk $0xffff, v0;
	s15 =	smov.u32 s17;
	s17 =	sadd.s32 $0x4, s17  }
.Ltmp3:
0x36: {  	v0 =	vld [tilespmem:s18+$0xFFFFFFF0];
	(pc) =	sbr.rel @p1 .LBB1_3-.Ltmp3, $4  }
0x37: {  	_ = 	snop  }
0x38: {  	s15 =	sshra.s32 s15, $0x2  }
0x39: {  	s15 =	sadd.s32 s15, s16  }
0x3a: {  	s18 =	sadd.s32 $0x20, s18;
	[tilespmem:s15+$0x810 ss:$0x81] =	vst.msk $0xffff, v1  }
.Ltmp4:
0x3b: {  	_ = 	snop;
	(pc) =	sbr.rel .LBB1_4-.Ltmp4, $1  }
0x3c: {  	_ =	sdelay $0x3  }
.LBB1_6:
0x3d: {  	_ =	sfence.sel $0x180000  }
0x3e: {  	s2 =	simm.s32 $0x1;
	[bflag:$0x0] =	sbarrier.arrive $0xFFFF  }
0x3f: {  	s31 =	simm.s32 $0x2;
	[sflag:s2] =	ssyncpa.u1 $0x1  }
0x40: {  	[sflag:s31] =	ssyncpa.u1 $0x1  }
0x41: {  	p0 =	sne.s32 s0, $0x0;
	_ =	strace $0x9000004D  }
0x42: {  	s0 =	sadd.s32 @!p0 $0x100000, s1;
	[bflag:$0x2] =	sbarrier.arrive $0xFFFF  }
0x43: {  	[sflag:s0] =	ssyncadd.tile.s32 @!p0 $0x1;
	_ =	shalt  }
.Lfunc_end1:
_tile_overlayer_lowered:
.L_overlay_start_2:
0x44: {  	(tag) =	ssettag $0x2  }
0x45: {  	s0 =	rddreg [dreg:$0x0];
	s2 =	stileid.u32  }
0x46: {  	s1 =	rddreg [dreg:$0x1];
	p0 =	sne.s32 s2, $0x0  }
0x47: {  	s3 =	rddreg [dreg:$0x2];
	[bflag:$0x3] =	sbarrier.arrive $0xFFFF;
	s2 =	simm.s32 @!p0 $0x1C01  }
0x48: {  	[timem:s3], [sflag:s2] =	dma.local @!p0 [hbm:s0], s1  }
0x49: {  	s0 =	simm.s32 @!p0 $0x1  }
0x4a: {  	_ =	swait.ge @!p0 [sflag:s0], s1  }
0x4b: {  	s1 =	ssub.s32 @!p0 $0x0, s1;
	[sflag:s0] =	ssyncset.done @!p0 $0x0  }
0x4c: {  	[sflag:s0] =	ssyncadd.s32 @!p0 s1  }
0x4d: {  	[bflag:$0x3] =	sbarrier.arrive $0xFFFF  }
0x4e: {  	_ =	shalt  }

</sc_bundles>
